<compile_context>
chip_gen: v7x
topology: tpu7x:2x2x1
jax: 0.10.2.dev20260603
libtpu: 0.0.44.dev20260713+nightly
codegen_flags: <defaults>
</compile_context>

<pallas_src>
import functools

import jax
import jax.numpy as jnp
from jax import lax
from jax.experimental import pallas as pl
from jax.experimental.pallas import tpu as pltpu
from jax.experimental.pallas import tpu_sc as plsc

N = 10000
E = 320000
C = 128
OUT = 64
NPAD = 10240
BATCH = 128
TE = 20224
NBATCH = TE // BATCH
EH = TE * 16
ABATCH = 2528
NCHUNK = NPAD // 16

_MESH = plsc.VectorSubcoreMesh(core_axis_name="c", subcore_axis_name="s")
_SC_PARAMS = pltpu.CompilerParams(needs_layout_passes=False)


def _zero16():
    return jnp.zeros((16,), jnp.float32)


@functools.partial(
    pl.kernel,
    out_type=jax.ShapeDtypeStruct((2, NPAD), jnp.float32),
    mesh=_MESH,
    compiler_params=_SC_PARAMS,
    scratch_types=[
        pltpu.VMEM((BATCH,), jnp.int32),
        pltpu.VMEM((BATCH,), jnp.int32),
        pltpu.VMEM((BATCH,), jnp.float32),
        pltpu.VMEM((NCHUNK,), jnp.float32),
        pltpu.VMEM((2, NCHUNK), jnp.float32),
        pltpu.VMEM_SHARED((NPAD,), jnp.float32),
        pltpu.VMEM_SHARED((NPAD,), jnp.float32),
    ],
)
def _degrees(row_hbm, col_hbm, ew_hbm, inv_hbm,
             ridx, cidx, ew_b, zchunk, inv_b, deg_o_sh, deg_i_sh):
    c = lax.axis_index("c")
    s = lax.axis_index("s")

    @pl.when(c == 0)
    def _():
        def zbody(j, _):
            zchunk[pl.ds(j * 16, 16)] = _zero16()
            return 0
        lax.fori_loop(0, NCHUNK // 16, zbody, 0)
        pltpu.sync_copy(zchunk, deg_o_sh.at[pl.ds(s * NCHUNK, NCHUNK)])
        pltpu.sync_copy(zchunk, deg_i_sh.at[pl.ds(s * NCHUNK, NCHUNK)])
        plsc.subcore_barrier()

        base = s * TE
        def abody(b, _):
            off = base + b * BATCH
            pltpu.sync_copy(row_hbm.at[pl.ds(off, BATCH)], ridx)
            pltpu.sync_copy(col_hbm.at[pl.ds(off, BATCH)], cidx)
            pltpu.sync_copy(ew_hbm.at[pl.ds(off, BATCH)], ew_b)
            pltpu.sync_copy(ew_b, deg_o_sh.at[ridx], add=True)
            pltpu.sync_copy(ew_b, deg_i_sh.at[cidx], add=True)
            return 0
        lax.fori_loop(0, TE // BATCH, abody, 0)
        plsc.subcore_barrier()

        pltpu.sync_copy(deg_o_sh.at[pl.ds(s * NCHUNK, NCHUNK)], zchunk)
        def sbody(jj, d, buf):
            node = s * NCHUNK + jj * 16 + lax.iota(jnp.int32, 16)
            acc = buf[pl.ds(jj * 16, 16)]
            inv = jnp.where(node < N, 1.0 / acc, 0.0)
            inv_b[d, pl.ds(jj * 16, 16)] = inv
        lax.fori_loop(0, NCHUNK // 16, lambda jj, _: (sbody(jj, 0, zchunk), 0)[1], 0)
        pltpu.sync_copy(deg_i_sh.at[pl.ds(s * NCHUNK, NCHUNK)], zchunk)
        lax.fori_loop(0, NCHUNK // 16, lambda jj, _: (sbody(jj, 1, zchunk), 0)[1], 0)
        pltpu.sync_copy(inv_b, inv_hbm.at[:, pl.ds(s * NCHUNK, NCHUNK)])


@functools.partial(
    pl.kernel,
    out_type=jax.ShapeDtypeStruct((2, NPAD, C), jnp.float32),
    mesh=_MESH,
    compiler_params=_SC_PARAMS,
    scratch_types=[
        pltpu.VMEM((NPAD,), jnp.float32),
        pltpu.VMEM((BATCH,), jnp.int32),
        pltpu.VMEM((BATCH,), jnp.int32),
        pltpu.VMEM((BATCH,), jnp.int32),
        pltpu.VMEM((BATCH,), jnp.float32),
        pltpu.VMEM((BATCH, C), jnp.float32),
        pltpu.VMEM((BATCH, C), jnp.float32),
        pltpu.VMEM_SHARED((NPAD, C), jnp.float32),
        pltpu.SemaphoreType.DMA,
    ],
)
def _aggregate(x_hbm, src_hbm, dst_hbm, wrow_hbm, inv_hbm, acc_hbm,
               inv_l, sidx, didx, widx, wbuf, rows, zrow, acc_sh, gsem):
    c = lax.axis_index("c")
    s = lax.axis_index("s")

    pltpu.sync_copy(inv_hbm.at[c], inv_l)

    def zb(i, _):
        for r in range(8):
            zrow[i, pl.ds(r * 16, 16)] = _zero16()
        return 0
    lax.fori_loop(0, BATCH, zb, 0)
    for b in range(NCHUNK // BATCH):
        pltpu.sync_copy(zrow, acc_sh.at[pl.ds(s * NCHUNK + b * BATCH, BATCH)])
    plsc.subcore_barrier()

    half_base = c * EH + s * TE

    def body(b, _):
        off = half_base + b * BATCH
        pltpu.sync_copy(src_hbm.at[pl.ds(off, BATCH)], sidx)
        pltpu.sync_copy(dst_hbm.at[pl.ds(off, BATCH)], didx)
        pltpu.sync_copy(wrow_hbm.at[pl.ds(off, BATCH)], widx)
        pltpu.async_copy(x_hbm.at[sidx], rows, gsem).wait()

        def wb(k, _):
            iv = widx[pl.ds(k * 16, 16)]
            wbuf[pl.ds(k * 16, 16)] = plsc.load_gather(inv_l, [iv])
            return 0
        lax.fori_loop(0, BATCH // 16, wb, 0)

        def eb(e, _):
            ws = plsc.load_gather(wbuf, [jnp.full((16,), e, jnp.int32)])
            for r in range(8):
                rows[e, pl.ds(r * 16, 16)] = rows[e, pl.ds(r * 16, 16)] * ws
            return 0
        lax.fori_loop(0, BATCH, eb, 0)

        pltpu.sync_copy(rows, acc_sh.at[didx], add=True)
        return 0
    lax.fori_loop(0, NBATCH, body, 0)

    plsc.subcore_barrier()
    pltpu.sync_copy(acc_sh.at[pl.ds(s * NCHUNK, NCHUNK)],
                    acc_hbm.at[c, pl.ds(s * NCHUNK, NCHUNK)])


def _gates_body(x_ref, to_ref, ti_ref, w_ref, b_ref, lt_ref, lb_ref, o_ref):
    W = w_ref[...]
    pre = jnp.dot(x_ref[...], W[:C], preferred_element_type=jnp.float32)
    pre += jnp.dot(to_ref[0], W[C:2 * C], preferred_element_type=jnp.float32)
    pre += jnp.dot(ti_ref[0], W[2 * C:], preferred_element_type=jnp.float32)
    pre += b_ref[...]
    Z = jax.nn.sigmoid(pre[:, :C])
    Ht = jnp.tanh(pre[:, C:])
    h = jnp.maximum((1.0 - Z) * Ht, 0.0)
    o_ref[...] = jnp.dot(h, lt_ref[...], preferred_element_type=jnp.float32) \
        + lb_ref[...]


_BR = 512

_gates = pl.pallas_call(
    _gates_body,
    out_shape=jax.ShapeDtypeStruct((NPAD, OUT), jnp.float32),
    grid=(NPAD // _BR,),
    in_specs=[
        pl.BlockSpec((_BR, C), lambda i: (i, 0)),
        pl.BlockSpec((1, _BR, C), lambda i: (0, i, 0)),
        pl.BlockSpec((1, _BR, C), lambda i: (1, i, 0)),
        pl.BlockSpec((3 * C, 2 * C), lambda i: (0, 0)),
        pl.BlockSpec((1, 2 * C), lambda i: (0, 0)),
        pl.BlockSpec((C, OUT), lambda i: (0, 0)),
        pl.BlockSpec((1, OUT), lambda i: (0, 0)),
    ],
    out_specs=pl.BlockSpec((_BR, OUT), lambda i: (i, 0)),
)


def kernel(x, edge_index, edge_weight, w_z, b_z, w_r, b_r, w_h, b_h,
           lin_w, lin_b):
    row = edge_index[0].astype(jnp.int32)
    col = edge_index[1].astype(jnp.int32)
    order = jnp.argsort(col * 16384 + row)
    order_out = jnp.argsort(row)

    padE = EH - E
    padv = jnp.full((padE,), NPAD - 1, jnp.int32)
    src_all = jnp.concatenate([row[order_out], padv, col[order], padv])
    dst_all = jnp.concatenate([col[order_out], padv, row[order], padv])
    wrow_all = jnp.concatenate([row[order_out], padv, row, padv])
    row_pad = jnp.concatenate([row, padv])
    col_pad = jnp.concatenate([col, padv])
    ew_pad = jnp.concatenate([edge_weight, jnp.zeros((padE,), jnp.float32)])
    x_pad = jnp.concatenate([x, jnp.zeros((NPAD - N, C), x.dtype)])

    inv2 = _degrees(row_pad, col_pad, ew_pad)
    acc = _aggregate(x_pad, src_all, dst_all, wrow_all, inv2)

    wcat = jnp.concatenate([
        jnp.concatenate([w_z[0, 0][:C] + w_z[1, 0][:C],
                         w_h[0, 0][:C] + w_h[1, 0][:C]], axis=1),
        jnp.concatenate([w_z[0, 1][:C], w_h[0, 1][:C]], axis=1),
        jnp.concatenate([w_z[1, 1][:C], w_h[1, 1][:C]], axis=1),
    ], axis=0)
    bias = jnp.concatenate([b_z, b_h])[None]
    out = _gates(x_pad, acc, acc, wcat, bias, lin_w.T, lin_b[None])
    return out[:N]

# --- scband reference (transcript-rebuilt; emitter-appended) ---
"""Pipeline reference for scband-dcrnnet-33801392619882 (READ-ONLY COPY).

The authoritative reference and input builder live on the scoring server;
editing this copy changes nothing except your own understanding.
"""

import jax, jax.numpy as jnp
import numpy as np

N = 10000
E = 320000
C_IN = 128
C_OUT = 128
K = 2
OUT_SIZE = 64


def _dconv(X, row, col, rev_src, rev_dst, norm_out, norm_in, W, b):
    # W: (2, K, Cin, Cout), b: (Cout,). Faithful to torch_geometric_temporal DConv.
    n = X.shape[0]

    def prop(src, dst, norm, x):
        # MessagePassing(aggr='add', flow='source_to_target'): out[dst] += norm * x[src]
        return jnp.zeros((n, x.shape[1]), x.dtype).at[dst].add(norm[:, None] * x[src])

    H = X @ W[0, 0] + X @ W[1, 0]
    k_hops = W.shape[1]
    Tx_1_o = X
    Tx_1_i = X
    if k_hops > 1:
        Tx_1_o = prop(row, col, norm_out, X)
        Tx_1_i = prop(rev_src, rev_dst, norm_in, X)
        H = H + Tx_1_o @ W[0, 1] + Tx_1_i @ W[1, 1]
    for k in range(2, k_hops):
        Tx_2_o = prop(row, col, norm_out, Tx_1_o)
        Tx_2_i = prop(rev_src, rev_dst, norm_in, Tx_1_i)
        H = H + Tx_2_o @ W[0, k] + Tx_2_i @ W[1, k]
        Tx_1_o, Tx_1_i = Tx_2_o, Tx_2_i
    return H + b


def _graph_norms(edge_index, edge_weight, n):
    row = edge_index[0]
    col = edge_index[1]
    # to_dense_adj degree computation == weighted segment sums (assuming unique edges)
    deg_out = jax.ops.segment_sum(edge_weight, row, num_segments=n)
    deg_in = jax.ops.segment_sum(edge_weight, col, num_segments=n)
    norm_out = (1.0 / deg_out)[row]
    norm_in = (1.0 / deg_in)[row]  # note: [row], exactly as in the torch source
    # dense_to_sparse(adj.T) returns reverse edges in row-major order of adj.T,
    # i.e. original edges sorted by (col, row); norm_in is applied positionally
    order = jnp.lexsort((row, col))
    rev_src = col[order]
    rev_dst = row[order]
    return row, col, rev_src, rev_dst, norm_out, norm_in


def reference(x, edge_index, edge_weight, w_z, b_z, w_r, b_r, w_h, b_h, lin_w, lin_b):
    n = x.shape[0]
    row, col, rev_src, rev_dst, norm_out, norm_in = _graph_norms(edge_index, edge_weight, n)
    H0 = jnp.zeros((n, C_OUT), x.dtype)
    XZ = jnp.concatenate([x, H0], axis=1)
    Z = jax.nn.sigmoid(_dconv(XZ, row, col, rev_src, rev_dst, norm_out, norm_in, w_z, b_z))
    XR = jnp.concatenate([x, H0], axis=1)
    R = jax.nn.sigmoid(_dconv(XR, row, col, rev_src, rev_dst, norm_out, norm_in, w_r, b_r))
    XH = jnp.concatenate([x, H0 * R], axis=1)
    H_tilde = jnp.tanh(_dconv(XH, row, col, rev_src, rev_dst, norm_out, norm_in, w_h, b_h))
    H = Z * H0 + (1.0 - Z) * H_tilde
    h = jax.nn.relu(H)
    return h @ lin_w.T + lin_b


def setup_inputs(seed: int = 0):
    key = jax.random.key(seed)
    ks = jax.random.split(key, 12)
    x = jax.random.normal(ks[0], (N, C_IN), dtype=jnp.float32)
    edge_index = jax.random.randint(ks[1], (2, E), 0, N)
    edge_weight = jax.random.uniform(ks[2], (E,), dtype=jnp.float32, minval=0.05, maxval=1.0)
    c = C_IN + C_OUT
    s = float(1.0 / np.sqrt(c))
    w_z = jax.random.normal(ks[3], (2, K, c, C_OUT), jnp.float32) * s
    b_z = jnp.zeros((C_OUT,), jnp.float32)
    w_r = jax.random.normal(ks[4], (2, K, c, C_OUT), jnp.float32) * s
    b_r = jnp.zeros((C_OUT,), jnp.float32)
    w_h = jax.random.normal(ks[5], (2, K, c, C_OUT), jnp.float32) * s
    b_h = jnp.zeros((C_OUT,), jnp.float32)
    lin_w = jax.random.normal(ks[6], (OUT_SIZE, C_OUT), jnp.float32) * float(1.0 / np.sqrt(C_OUT))
    lin_b = jnp.zeros((OUT_SIZE,), jnp.float32)
    return {"x": x, "edge_index": edge_index, "edge_weight": edge_weight,
            "w_z": w_z, "b_z": b_z, "w_r": w_r, "b_r": b_r,
            "w_h": w_h, "b_h": b_h, "lin_w": lin_w, "lin_b": lin_b}

if __name__ == "__main__":
    import jax
    _d = setup_inputs()
    print(jax.jit(kernel)(*tuple(_d.values())))

</pallas_src>

<mosaic_0001>
#map = affine_map<(d0, d1) -> (0)>
#map1 = affine_map<(d0, d1) -> (0, 0)>
module attributes {stable_mosaic.version = 14 : i64} {
  func.func @_degrees(%arg0: i32, %arg1: i32, %arg2: memref<323584xi32, #tpu.memory_space<hbm>>, %arg3: memref<323584xi32, #tpu.memory_space<hbm>>, %arg4: memref<323584xf32, #tpu.memory_space<hbm>>, %arg5: memref<2x10240xf32, #tpu.memory_space<hbm>>, %arg6: memref<128xi32, #tpu.memory_space<vmem>>, %arg7: memref<128xi32, #tpu.memory_space<vmem>>, %arg8: memref<128xf32, #tpu.memory_space<vmem>>, %arg9: memref<640xf32, #tpu.memory_space<vmem>>, %arg10: memref<2x640xf32, #tpu.memory_space<vmem>>, %arg11: memref<10240xf32, #tpu.memory_space<vmem_shared>>, %arg12: memref<10240xf32, #tpu.memory_space<vmem_shared>>) attributes {dimension_semantics = [#tpu.dimension_semantics<core_parallel>, #tpu.dimension_semantics<subcore_parallel>], iteration_bounds = array<i64: 2, 16>, scalar_prefetch = 0 : i64, scratch_operands = 7 : i64, tpu.core_type = #tpu.core_type<sc_vector_subcore>, window_params = [{transform_indices = #map}, {transform_indices = #map}, {transform_indices = #map}, {transform_indices = #map1}]} {
    %eq3A = arith.constant 0 : i32
    %eq3A_0 = arith.cmpi eq, %arg0, %eq3A : i32
    %convert_element_type3A = arith.extui %eq3A_0 : i1 to i32
    %cond3A = arith.constant 0 : i32
    %cond3A_1 = arith.cmpi ne, %convert_element_type3A, %cond3A : i32
    scf.if %cond3A_1 {
      %scan3A = arith.constant 0 : i32
      %scan3A_2 = arith.constant 0 : i32
      %scan3A_3 = arith.constant 40 : i32
      %scan3A_4 = arith.addi %scan3A_2, %scan3A_3 : i32
      %scan3A_5 = arith.constant 1 : i32
      %scan3A_6 = scf.for %scan3A_41 = %scan3A_2 to %scan3A_4 step %scan3A_5 iter_args(%scan3A_42 = %scan3A) -> (i32)  : i32 {
        %broadcast_in_dim3A = arith.constant 0.000000e+00 : f32
        %broadcast_in_dim3A_43 = vector.broadcast %broadcast_in_dim3A : f32 to vector<16xf32>
        %mul3A_44 = arith.constant 16 : i32
        %mul3A_45 = arith.muli %scan3A_41, %mul3A_44 : i32
        %swap3A = arith.index_cast %mul3A_45 : i32 to index
        %swap3A_46 = tpu.vector_load %arg9[%swap3A] {strides = array<i32>} : memref<640xf32, #tpu.memory_space<vmem>>, vector<16xf32>,
        tpu.vector_store %arg9[%swap3A], %broadcast_in_dim3A_43 {strides = array<i32>} : memref<640xf32, #tpu.memory_space<vmem>>, vector<16xf32>,
        %scan3A_47 = arith.constant 0 : i32
        scf.yield %scan3A_47 : i32
      }
      %scan3A_7 = arith.constant 40 : i32
      %mul3A = arith.constant 640 : i32
      %mul3A_8 = arith.muli %arg1, %mul3A : i32
      "tpu.region"() ({
        %run_scoped3A = tpu.sem_alloc : memref<!tpu.dma_semaphore, #tpu.memory_space<semaphore_mem>>
        %dma_start3A = tpu.memref_slice %arg11[%mul3A_8] : memref<10240xf32, #tpu.memory_space<vmem_shared>> -> memref<640xf32, #tpu.memory_space<vmem_shared>>
        %dma_start3A_41 = tpu.memref_slice %arg11[%mul3A_8] : memref<10240xf32, #tpu.memory_space<vmem_shared>> -> memref<640xf32, #tpu.memory_space<vmem_shared>>
        tpu.enqueue_dma source(%arg9 : memref<640xf32, #tpu.memory_space<vmem>>) target(%dma_start3A_41 : memref<640xf32, #tpu.memory_space<vmem_shared>>) target_semaphore(%run_scoped3A : memref<!tpu.dma_semaphore, #tpu.memory_space<semaphore_mem>>)
        %dma_wait3A = tpu.memref_slice %arg11[%mul3A_8] : memref<10240xf32, #tpu.memory_space<vmem_shared>> -> memref<640xf32, #tpu.memory_space<vmem_shared>>
        %dma_wait3A_42 = tpu.memref_slice %arg11[%mul3A_8] : memref<10240xf32, #tpu.memory_space<vmem_shared>> -> memref<640xf32, #tpu.memory_space<vmem_shared>>
        tpu.wait_dma2 semaphore(%run_scoped3A : memref<!tpu.dma_semaphore, #tpu.memory_space<semaphore_mem>>) src(%arg9 : memref<640xf32, #tpu.memory_space<vmem>>) dst(%dma_wait3A_42 : memref<640xf32, #tpu.memory_space<vmem_shared>>)
        tpu.yield
      }) : () -> ()
      %mul3A_9 = arith.constant 640 : i32
      %mul3A_10 = arith.muli %arg1, %mul3A_9 : i32
      "tpu.region"() ({
        %run_scoped3A = tpu.sem_alloc : memref<!tpu.dma_semaphore, #tpu.memory_space<semaphore_mem>>
        %dma_start3A = tpu.memref_slice %arg12[%mul3A_10] : memref<10240xf32, #tpu.memory_space<vmem_shared>> -> memref<640xf32, #tpu.memory_space<vmem_shared>>
        %dma_start3A_41 = tpu.memref_slice %arg12[%mul3A_10] : memref<10240xf32, #tpu.memory_space<vmem_shared>> -> memref<640xf32, #tpu.memory_space<vmem_shared>>
        tpu.enqueue_dma source(%arg9 : memref<640xf32, #tpu.memory_space<vmem>>) target(%dma_start3A_41 : memref<640xf32, #tpu.memory_space<vmem_shared>>) target_semaphore(%run_scoped3A : memref<!tpu.dma_semaphore, #tpu.memory_space<semaphore_mem>>)
        %dma_wait3A = tpu.memref_slice %arg12[%mul3A_10] : memref<10240xf32, #tpu.memory_space<vmem_shared>> -> memref<640xf32, #tpu.memory_space<vmem_shared>>
        %dma_wait3A_42 = tpu.memref_slice %arg12[%mul3A_10] : memref<10240xf32, #tpu.memory_space<vmem_shared>> -> memref<640xf32, #tpu.memory_space<vmem_shared>>
        tpu.wait_dma2 semaphore(%run_scoped3A : memref<!tpu.dma_semaphore, #tpu.memory_space<semaphore_mem>>) src(%arg9 : memref<640xf32, #tpu.memory_space<vmem>>) dst(%dma_wait3A_42 : memref<640xf32, #tpu.memory_space<vmem_shared>>)
        tpu.yield
      }) : () -> ()
      %barrier3A = arith.constant 0 : index
      tpu.barrier barrier_id(%barrier3A)
      %mul3A_11 = arith.constant 20224 : i32
      %mul3A_12 = arith.muli %arg1, %mul3A_11 : i32
      %scan3A_13 = arith.constant 0 : i32
      %scan3A_14 = arith.constant 0 : i32
      %scan3A_15 = arith.constant 158 : i32
      %scan3A_16 = arith.addi %scan3A_14, %scan3A_15 : i32
      %scan3A_17 = arith.constant 1 : i32
      %scan3A_18 = scf.for %scan3A_41 = %scan3A_14 to %scan3A_16 step %scan3A_17 iter_args(%scan3A_42 = %scan3A_13) -> (i32)  : i32 {
        %mul3A_43 = arith.constant 128 : i32
        %mul3A_44 = arith.muli %scan3A_41, %mul3A_43 : i32
        %add3A = arith.addi %mul3A_12, %mul3A_44 : i32
        "tpu.region"() ({
          %run_scoped3A = tpu.sem_alloc : memref<!tpu.dma_semaphore, #tpu.memory_space<semaphore_mem>>
          %dma_start3A = tpu.memref_slice %arg2[%add3A] : memref<323584xi32, #tpu.memory_space<hbm>> -> memref<128xi32, #tpu.memory_space<hbm>>
          %dma_start3A_46 = tpu.memref_slice %arg2[%add3A] : memref<323584xi32, #tpu.memory_space<hbm>> -> memref<128xi32, #tpu.memory_space<hbm>>
          tpu.enqueue_dma source(%dma_start3A_46 : memref<128xi32, #tpu.memory_space<hbm>>) target(%arg6 : memref<128xi32, #tpu.memory_space<vmem>>) target_semaphore(%run_scoped3A : memref<!tpu.dma_semaphore, #tpu.memory_space<semaphore_mem>>)
          %dma_wait3A = tpu.memref_slice %arg2[%add3A] : memref<323584xi32, #tpu.memory_space<hbm>> -> memref<128xi32, #tpu.memory_space<hbm>>
          %dma_wait3A_47 = tpu.memref_slice %arg2[%add3A] : memref<323584xi32, #tpu.memory_space<hbm>> -> memref<128xi32, #tpu.memory_space<hbm>>
          tpu.wait_dma2 semaphore(%run_scoped3A : memref<!tpu.dma_semaphore, #tpu.memory_space<semaphore_mem>>) src(%dma_wait3A_47 : memref<128xi32, #tpu.memory_space<hbm>>) dst(%arg6 : memref<128xi32, #tpu.memory_space<vmem>>)
          tpu.yield
        }) : () -> ()
        "tpu.region"() ({
          %run_scoped3A = tpu.sem_alloc : memref<!tpu.dma_semaphore, #tpu.memory_space<semaphore_mem>>
          %dma_start3A = tpu.memref_slice %arg3[%add3A] : memref<323584xi32, #tpu.memory_space<hbm>> -> memref<128xi32, #tpu.memory_space<hbm>>
          %dma_start3A_46 = tpu.memref_slice %arg3[%add3A] : memref<323584xi32, #tpu.memory_space<hbm>> -> memref<128xi32, #tpu.memory_space<hbm>>
          tpu.enqueue_dma source(%dma_start3A_46 : memref<128xi32, #tpu.memory_space<hbm>>) target(%arg7 : memref<128xi32, #tpu.memory_space<vmem>>) target_semaphore(%run_scoped3A : memref<!tpu.dma_semaphore, #tpu.memory_space<semaphore_mem>>)
          %dma_wait3A = tpu.memref_slice %arg3[%add3A] : memref<323584xi32, #tpu.memory_space<hbm>> -> memref<128xi32, #tpu.memory_space<hbm>>
          %dma_wait3A_47 = tpu.memref_slice %arg3[%add3A] : memref<323584xi32, #tpu.memory_space<hbm>> -> memref<128xi32, #tpu.memory_space<hbm>>
          tpu.wait_dma2 semaphore(%run_scoped3A : memref<!tpu.dma_semaphore, #tpu.memory_space<semaphore_mem>>) src(%dma_wait3A_47 : memref<128xi32, #tpu.memory_space<hbm>>) dst(%arg7 : memref<128xi32, #tpu.memory_space<vmem>>)
          tpu.yield
        }) : () -> ()
        "tpu.region"() ({
          %run_scoped3A = tpu.sem_alloc : memref<!tpu.dma_semaphore, #tpu.memory_space<semaphore_mem>>
          %dma_start3A = tpu.memref_slice %arg4[%add3A] : memref<323584xf32, #tpu.memory_space<hbm>> -> memref<128xf32, #tpu.memory_space<hbm>>
          %dma_start3A_46 = tpu.memref_slice %arg4[%add3A] : memref<323584xf32, #tpu.memory_space<hbm>> -> memref<128xf32, #tpu.memory_space<hbm>>
          tpu.enqueue_dma source(%dma_start3A_46 : memref<128xf32, #tpu.memory_space<hbm>>) target(%arg8 : memref<128xf32, #tpu.memory_space<vmem>>) target_semaphore(%run_scoped3A : memref<!tpu.dma_semaphore, #tpu.memory_space<semaphore_mem>>)
          %dma_wait3A = tpu.memref_slice %arg4[%add3A] : memref<323584xf32, #tpu.memory_space<hbm>> -> memref<128xf32, #tpu.memory_space<hbm>>
          %dma_wait3A_47 = tpu.memref_slice %arg4[%add3A] : memref<323584xf32, #tpu.memory_space<hbm>> -> memref<128xf32, #tpu.memory_space<hbm>>
          tpu.wait_dma2 semaphore(%run_scoped3A : memref<!tpu.dma_semaphore, #tpu.memory_space<semaphore_mem>>) src(%dma_wait3A_47 : memref<128xf32, #tpu.memory_space<hbm>>) dst(%arg8 : memref<128xf32, #tpu.memory_space<vmem>>)
          tpu.yield
        }) : () -> ()
        "tpu.region"() ({
          %run_scoped3A = tpu.sem_alloc : memref<!tpu.dma_semaphore, #tpu.memory_space<semaphore_mem>>
          %dma_start3A = arith.constant 0 : i32
          %dma_start3A_46 = tpu.memref_slice %arg11[%dma_start3A] : memref<10240xf32, #tpu.memory_space<vmem_shared>> -> memref<10240xf32, #tpu.memory_space<vmem_shared>>
          tpu.enqueue_indirect_dma source(%arg8 : memref<128xf32, #tpu.memory_space<vmem>>) target(%dma_start3A_46 : memref<10240xf32, #tpu.memory_space<vmem_shared>>) offsets(%arg6 : memref<128xi32, #tpu.memory_space<vmem>>) semaphore(%run_scoped3A : memref<!tpu.dma_semaphore, #tpu.memory_space<semaphore_mem>>) {add = true}
          %dma_wait3A = arith.constant 0 : i32
          %dma_wait3A_47 = tpu.memref_slice %arg11[%dma_wait3A] : memref<10240xf32, #tpu.memory_space<vmem_shared>> -> memref<10240xf32, #tpu.memory_space<vmem_shared>>
          tpu.wait_indirect_dma semaphore(%run_scoped3A : memref<!tpu.dma_semaphore, #tpu.memory_space<semaphore_mem>>) src(%arg8 : memref<128xf32, #tpu.memory_space<vmem>>) dst(%dma_wait3A_47 : memref<10240xf32, #tpu.memory_space<vmem_shared>>)
          tpu.yield
        }) : () -> ()
        "tpu.region"() ({
          %run_scoped3A = tpu.sem_alloc : memref<!tpu.dma_semaphore, #tpu.memory_space<semaphore_mem>>
          %dma_start3A = arith.constant 0 : i32
          %dma_start3A_46 = tpu.memref_slice %arg12[%dma_start3A] : memref<10240xf32, #tpu.memory_space<vmem_shared>> -> memref<10240xf32, #tpu.memory_space<vmem_shared>>
          tpu.enqueue_indirect_dma source(%arg8 : memref<128xf32, #tpu.memory_space<vmem>>) target(%dma_start3A_46 : memref<10240xf32, #tpu.memory_space<vmem_shared>>) offsets(%arg7 : memref<128xi32, #tpu.memory_space<vmem>>) semaphore(%run_scoped3A : memref<!tpu.dma_semaphore, #tpu.memory_space<semaphore_mem>>) {add = true}
          %dma_wait3A = arith.constant 0 : i32
          %dma_wait3A_47 = tpu.memref_slice %arg12[%dma_wait3A] : memref<10240xf32, #tpu.memory_space<vmem_shared>> -> memref<10240xf32, #tpu.memory_space<vmem_shared>>
          tpu.wait_indirect_dma semaphore(%run_scoped3A : memref<!tpu.dma_semaphore, #tpu.memory_space<semaphore_mem>>) src(%arg8 : memref<128xf32, #tpu.memory_space<vmem>>) dst(%dma_wait3A_47 : memref<10240xf32, #tpu.memory_space<vmem_shared>>)
          tpu.yield
        }) : () -> ()
        %scan3A_45 = arith.constant 0 : i32
        scf.yield %scan3A_45 : i32
      }
      %scan3A_19 = arith.constant 158 : i32
      %barrier3A_20 = arith.constant 0 : index
      tpu.barrier barrier_id(%barrier3A_20)
      %mul3A_21 = arith.constant 640 : i32
      %mul3A_22 = arith.muli %arg1, %mul3A_21 : i32
      "tpu.region"() ({
        %run_scoped3A = tpu.sem_alloc : memref<!tpu.dma_semaphore, #tpu.memory_space<semaphore_mem>>
        %dma_start3A = tpu.memref_slice %arg11[%mul3A_22] : memref<10240xf32, #tpu.memory_space<vmem_shared>> -> memref<640xf32, #tpu.memory_space<vmem_shared>>
        %dma_start3A_41 = tpu.memref_slice %arg11[%mul3A_22] : memref<10240xf32, #tpu.memory_space<vmem_shared>> -> memref<640xf32, #tpu.memory_space<vmem_shared>>
        tpu.enqueue_dma source(%dma_start3A_41 : memref<640xf32, #tpu.memory_space<vmem_shared>>) target(%arg9 : memref<640xf32, #tpu.memory_space<vmem>>) target_semaphore(%run_scoped3A : memref<!tpu.dma_semaphore, #tpu.memory_space<semaphore_mem>>)
        %dma_wait3A = tpu.memref_slice %arg11[%mul3A_22] : memref<10240xf32, #tpu.memory_space<vmem_shared>> -> memref<640xf32, #tpu.memory_space<vmem_shared>>
        %dma_wait3A_42 = tpu.memref_slice %arg11[%mul3A_22] : memref<10240xf32, #tpu.memory_space<vmem_shared>> -> memref<640xf32, #tpu.memory_space<vmem_shared>>
        tpu.wait_dma2 semaphore(%run_scoped3A : memref<!tpu.dma_semaphore, #tpu.memory_space<semaphore_mem>>) src(%dma_wait3A_42 : memref<640xf32, #tpu.memory_space<vmem_shared>>) dst(%arg9 : memref<640xf32, #tpu.memory_space<vmem>>)
        tpu.yield
      }) : () -> ()
      %scan3A_23 = arith.constant 0 : i32
      %scan3A_24 = arith.constant 0 : i32
      %scan3A_25 = arith.constant 40 : i32
      %scan3A_26 = arith.addi %scan3A_24, %scan3A_25 : i32
      %scan3A_27 = arith.constant 1 : i32
      %scan3A_28 = scf.for %scan3A_41 = %scan3A_24 to %scan3A_26 step %scan3A_27 iter_args(%scan3A_42 = %scan3A_23) -> (i32)  : i32 {
        %mul3A_43 = arith.constant 640 : i32
        %mul3A_44 = arith.muli %arg1, %mul3A_43 : i32
        %mul3A_45 = arith.constant 16 : i32
        %mul3A_46 = arith.muli %scan3A_41, %mul3A_45 : i32
        %add3A = arith.addi %mul3A_44, %mul3A_46 : i32
        %iota3A = tpu.iota {dimensions = array<i32: 0>} : vector<16xi32>
        %add3A_47 = vector.broadcast %add3A : i32 to vector<16xi32>
        %add3A_48 = arith.addi %add3A_47, %iota3A : vector<16xi32>
        %mul3A_49 = arith.constant 16 : i32
        %mul3A_50 = arith.muli %scan3A_41, %mul3A_49 : i32
        %get3A = arith.index_cast %mul3A_50 : i32 to index
        %get3A_51 = tpu.vector_load %arg9[%get3A] {strides = array<i32>} : memref<640xf32, #tpu.memory_space<vmem>>, vector<16xf32>,
        %lt3A = arith.constant 10000 : i32
        %lt3A_52 = vector.broadcast %lt3A : i32 to vector<16xi32>
        %lt3A_53 = arith.cmpi slt, %add3A_48, %lt3A_52 : vector<16xi32>
        %div3A = arith.constant 1.000000e+00 : f32
        %div3A_54 = vector.broadcast %div3A : f32 to vector<16xf32>
        %div3A_55 = arith.divf %div3A_54, %get3A_51 : vector<16xf32>
        %jit3A = arith.constant 0.000000e+00 : f32
        %broadcast_in_dim3A = vector.broadcast %jit3A : f32 to vector<16xf32>
        %select_n3A = arith.select %lt3A_53, %div3A_55, %broadcast_in_dim3A : vector<16xi1>, vector<16xf32>
        %mul3A_56 = arith.constant 16 : i32
        %mul3A_57 = arith.muli %scan3A_41, %mul3A_56 : i32
        %swap3A = arith.constant 0 : i32
        %swap3A_58 = arith.index_cast %swap3A : i32 to index
        %swap3A_59 = arith.index_cast %mul3A_57 : i32 to index
        %swap3A_60 = tpu.vector_load %arg10[%swap3A_58, %swap3A_59] {strides = array<i32>} : memref<2x640xf32, #tpu.memory_space<vmem>>, vector<16xf32>,
        tpu.vector_store %arg10[%swap3A_58, %swap3A_59], %select_n3A {strides = array<i32>} : memref<2x640xf32, #tpu.memory_space<vmem>>, vector<16xf32>,
        %scan3A_61 = arith.constant 0 : i32
        scf.yield %scan3A_61 : i32
      }
      %scan3A_29 = arith.constant 40 : i32
      %mul3A_30 = arith.constant 640 : i32
      %mul3A_31 = arith.muli %arg1, %mul3A_30 : i32
      "tpu.region"() ({
        %run_scoped3A = tpu.sem_alloc : memref<!tpu.dma_semaphore, #tpu.memory_space<semaphore_mem>>
        %dma_start3A = tpu.memref_slice %arg12[%mul3A_31] : memref<10240xf32, #tpu.memory_space<vmem_shared>> -> memref<640xf32, #tpu.memory_space<vmem_shared>>
        %dma_start3A_41 = tpu.memref_slice %arg12[%mul3A_31] : memref<10240xf32, #tpu.memory_space<vmem_shared>> -> memref<640xf32, #tpu.memory_space<vmem_shared>>
        tpu.enqueue_dma source(%dma_start3A_41 : memref<640xf32, #tpu.memory_space<vmem_shared>>) target(%arg9 : memref<640xf32, #tpu.memory_space<vmem>>) target_semaphore(%run_scoped3A : memref<!tpu.dma_semaphore, #tpu.memory_space<semaphore_mem>>)
        %dma_wait3A = tpu.memref_slice %arg12[%mul3A_31] : memref<10240xf32, #tpu.memory_space<vmem_shared>> -> memref<640xf32, #tpu.memory_space<vmem_shared>>
        %dma_wait3A_42 = tpu.memref_slice %arg12[%mul3A_31] : memref<10240xf32, #tpu.memory_space<vmem_shared>> -> memref<640xf32, #tpu.memory_space<vmem_shared>>
        tpu.wait_dma2 semaphore(%run_scoped3A : memref<!tpu.dma_semaphore, #tpu.memory_space<semaphore_mem>>) src(%dma_wait3A_42 : memref<640xf32, #tpu.memory_space<vmem_shared>>) dst(%arg9 : memref<640xf32, #tpu.memory_space<vmem>>)
        tpu.yield
      }) : () -> ()
      %scan3A_32 = arith.constant 0 : i32
      %scan3A_33 = arith.constant 0 : i32
      %scan3A_34 = arith.constant 40 : i32
      %scan3A_35 = arith.addi %scan3A_33, %scan3A_34 : i32
      %scan3A_36 = arith.constant 1 : i32
      %scan3A_37 = scf.for %scan3A_41 = %scan3A_33 to %scan3A_35 step %scan3A_36 iter_args(%scan3A_42 = %scan3A_32) -> (i32)  : i32 {
        %mul3A_43 = arith.constant 640 : i32
        %mul3A_44 = arith.muli %arg1, %mul3A_43 : i32
        %mul3A_45 = arith.constant 16 : i32
        %mul3A_46 = arith.muli %scan3A_41, %mul3A_45 : i32
        %add3A = arith.addi %mul3A_44, %mul3A_46 : i32
        %iota3A = tpu.iota {dimensions = array<i32: 0>} : vector<16xi32>
        %add3A_47 = vector.broadcast %add3A : i32 to vector<16xi32>
        %add3A_48 = arith.addi %add3A_47, %iota3A : vector<16xi32>
        %mul3A_49 = arith.constant 16 : i32
        %mul3A_50 = arith.muli %scan3A_41, %mul3A_49 : i32
        %get3A = arith.index_cast %mul3A_50 : i32 to index
        %get3A_51 = tpu.vector_load %arg9[%get3A] {strides = array<i32>} : memref<640xf32, #tpu.memory_space<vmem>>, vector<16xf32>,
        %lt3A = arith.constant 10000 : i32
        %lt3A_52 = vector.broadcast %lt3A : i32 to vector<16xi32>
        %lt3A_53 = arith.cmpi slt, %add3A_48, %lt3A_52 : vector<16xi32>
        %div3A = arith.constant 1.000000e+00 : f32
        %div3A_54 = vector.broadcast %div3A : f32 to vector<16xf32>
        %div3A_55 = arith.divf %div3A_54, %get3A_51 : vector<16xf32>
        %jit3A = arith.constant 0.000000e+00 : f32
        %broadcast_in_dim3A = vector.broadcast %jit3A : f32 to vector<16xf32>
        %select_n3A = arith.select %lt3A_53, %div3A_55, %broadcast_in_dim3A : vector<16xi1>, vector<16xf32>
        %mul3A_56 = arith.constant 16 : i32
        %mul3A_57 = arith.muli %scan3A_41, %mul3A_56 : i32
        %swap3A = arith.constant 1 : i32
        %swap3A_58 = arith.index_cast %swap3A : i32 to index
        %swap3A_59 = arith.index_cast %mul3A_57 : i32 to index
        %swap3A_60 = tpu.vector_load %arg10[%swap3A_58, %swap3A_59] {strides = array<i32>} : memref<2x640xf32, #tpu.memory_space<vmem>>, vector<16xf32>,
        tpu.vector_store %arg10[%swap3A_58, %swap3A_59], %select_n3A {strides = array<i32>} : memref<2x640xf32, #tpu.memory_space<vmem>>, vector<16xf32>,
        %scan3A_61 = arith.constant 0 : i32
        scf.yield %scan3A_61 : i32
      }
      %scan3A_38 = arith.constant 40 : i32
      %mul3A_39 = arith.constant 640 : i32
      %mul3A_40 = arith.muli %arg1, %mul3A_39 : i32
      "tpu.region"() ({
        %run_scoped3A = tpu.sem_alloc : memref<!tpu.dma_semaphore, #tpu.memory_space<semaphore_mem>>
        %dma_start3A = arith.constant 0 : i32
        %dma_start3A_41 = tpu.memref_slice %arg5[%dma_start3A, %mul3A_40] : memref<2x10240xf32, #tpu.memory_space<hbm>> -> memref<2x640xf32, #tpu.memory_space<hbm>>
        %dma_start3A_42 = arith.constant 0 : i32
        %dma_start3A_43 = tpu.memref_slice %arg5[%dma_start3A_42, %mul3A_40] : memref<2x10240xf32, #tpu.memory_space<hbm>> -> memref<2x640xf32, #tpu.memory_space<hbm>>
        tpu.enqueue_dma source(%arg10 : memref<2x640xf32, #tpu.memory_space<vmem>>) target(%dma_start3A_43 : memref<2x640xf32, #tpu.memory_space<hbm>>) target_semaphore(%run_scoped3A : memref<!tpu.dma_semaphore, #tpu.memory_space<semaphore_mem>>)
        %dma_wait3A = arith.constant 0 : i32
        %dma_wait3A_44 = tpu.memref_slice %arg5[%dma_wait3A, %mul3A_40] : memref<2x10240xf32, #tpu.memory_space<hbm>> -> memref<2x640xf32, #tpu.memory_space<hbm>>
        %dma_wait3A_45 = arith.constant 0 : i32
        %dma_wait3A_46 = tpu.memref_slice %arg5[%dma_wait3A_45, %mul3A_40] : memref<2x10240xf32, #tpu.memory_space<hbm>> -> memref<2x640xf32, #tpu.memory_space<hbm>>
        tpu.wait_dma2 semaphore(%run_scoped3A : memref<!tpu.dma_semaphore, #tpu.memory_space<semaphore_mem>>) src(%arg10 : memref<2x640xf32, #tpu.memory_space<vmem>>) dst(%dma_wait3A_46 : memref<2x640xf32, #tpu.memory_space<hbm>>)
        tpu.yield
      }) : () -> ()
    } else {
    }
    return
  }
}

#map = affine_map<(d0, d1) -> (0, 0)>
#map1 = affine_map<(d0, d1) -> (0)>
#map2 = affine_map<(d0, d1) -> (0, 0, 0)>
module attributes {stable_mosaic.version = 14 : i64} {
  func.func @_aggregate(%arg0: i32, %arg1: i32, %arg2: memref<10240x128xf32, #tpu.memory_space<hbm>>, %arg3: memref<647168xi32, #tpu.memory_space<hbm>>, %arg4: memref<647168xi32, #tpu.memory_space<hbm>>, %arg5: memref<647168xi32, #tpu.memory_space<hbm>>, %arg6: memref<2x10240xf32, #tpu.memory_space<hbm>>, %arg7: memref<2x10240x128xf32, #tpu.memory_space<hbm>>, %arg8: memref<10240xf32, #tpu.memory_space<vmem>>, %arg9: memref<128xi32, #tpu.memory_space<vmem>>, %arg10: memref<128xi32, #tpu.memory_space<vmem>>, %arg11: memref<128xi32, #tpu.memory_space<vmem>>, %arg12: memref<128xf32, #tpu.memory_space<vmem>>, %arg13: memref<128x128xf32, #tpu.memory_space<vmem>>, %arg14: memref<128x128xf32, #tpu.memory_space<vmem>>, %arg15: memref<10240x128xf32, #tpu.memory_space<vmem_shared>>, %arg16: memref<!tpu.dma_semaphore, #tpu.memory_space<semaphore_mem>>) attributes {dimension_semantics = [#tpu.dimension_semantics<core_parallel>, #tpu.dimension_semantics<subcore_parallel>], iteration_bounds = array<i64: 2, 16>, scalar_prefetch = 0 : i64, scratch_operands = 9 : i64, tpu.core_type = #tpu.core_type<sc_vector_subcore>, window_params = [{transform_indices = #map}, {transform_indices = #map1}, {transform_indices = #map1}, {transform_indices = #map1}, {transform_indices = #map}, {transform_indices = #map2}]} {
    "tpu.region"() ({
      %run_scoped3A = tpu.sem_alloc : memref<!tpu.dma_semaphore, #tpu.memory_space<semaphore_mem>>
      %dma_start3A = arith.constant 0 : i32
      %dma_start3A_41 = tpu.memref_slice %arg6[%arg0, %dma_start3A] : memref<2x10240xf32, #tpu.memory_space<hbm>> -> memref<1x10240xf32, #tpu.memory_space<hbm>>
      %dma_start3A_42 = tpu.memref_squeeze %dma_start3A_41 : memref<1x10240xf32, #tpu.memory_space<hbm>> -> memref<10240xf32, #tpu.memory_space<hbm>>
      %dma_start3A_43 = arith.constant 0 : i32
      %dma_start3A_44 = tpu.memref_slice %arg6[%arg0, %dma_start3A_43] : memref<2x10240xf32, #tpu.memory_space<hbm>> -> memref<1x10240xf32, #tpu.memory_space<hbm>>
      %dma_start3A_45 = tpu.memref_squeeze %dma_start3A_44 : memref<1x10240xf32, #tpu.memory_space<hbm>> -> memref<10240xf32, #tpu.memory_space<hbm>>
      tpu.enqueue_dma source(%dma_start3A_45 : memref<10240xf32, #tpu.memory_space<hbm>>) target(%arg8 : memref<10240xf32, #tpu.memory_space<vmem>>) target_semaphore(%run_scoped3A : memref<!tpu.dma_semaphore, #tpu.memory_space<semaphore_mem>>)
      %dma_wait3A = arith.constant 0 : i32
      %dma_wait3A_46 = tpu.memref_slice %arg6[%arg0, %dma_wait3A] : memref<2x10240xf32, #tpu.memory_space<hbm>> -> memref<1x10240xf32, #tpu.memory_space<hbm>>
      %dma_wait3A_47 = tpu.memref_squeeze %dma_wait3A_46 : memref<1x10240xf32, #tpu.memory_space<hbm>> -> memref<10240xf32, #tpu.memory_space<hbm>>
      %dma_wait3A_48 = arith.constant 0 : i32
      %dma_wait3A_49 = tpu.memref_slice %arg6[%arg0, %dma_wait3A_48] : memref<2x10240xf32, #tpu.memory_space<hbm>> -> memref<1x10240xf32, #tpu.memory_space<hbm>>
      %dma_wait3A_50 = tpu.memref_squeeze %dma_wait3A_49 : memref<1x10240xf32, #tpu.memory_space<hbm>> -> memref<10240xf32, #tpu.memory_space<hbm>>
      tpu.wait_dma2 semaphore(%run_scoped3A : memref<!tpu.dma_semaphore, #tpu.memory_space<semaphore_mem>>) src(%dma_wait3A_50 : memref<10240xf32, #tpu.memory_space<hbm>>) dst(%arg8 : memref<10240xf32, #tpu.memory_space<vmem>>)
      tpu.yield
    }) : () -> ()
    %scan3A = arith.constant 0 : i32
    %scan3A_0 = arith.constant 0 : i32
    %scan3A_1 = arith.constant 128 : i32
    %scan3A_2 = arith.addi %scan3A_0, %scan3A_1 : i32
    %scan3A_3 = arith.constant 1 : i32
    %scan3A_4 = scf.for %scan3A_41 = %scan3A_0 to %scan3A_2 step %scan3A_3 iter_args(%scan3A_42 = %scan3A) -> (i32)  : i32 {
      %broadcast_in_dim3A = arith.constant 0.000000e+00 : f32
      %broadcast_in_dim3A_43 = vector.broadcast %broadcast_in_dim3A : f32 to vector<16xf32>
      %swap3A = arith.index_cast %scan3A_41 : i32 to index
      %swap3A_44 = arith.constant 0 : index
      %swap3A_45 = tpu.vector_load %arg14[%swap3A, %swap3A_44] {strides = array<i32>} : memref<128x128xf32, #tpu.memory_space<vmem>>, vector<16xf32>,
      tpu.vector_store %arg14[%swap3A, %swap3A_44], %broadcast_in_dim3A_43 {strides = array<i32>} : memref<128x128xf32, #tpu.memory_space<vmem>>, vector<16xf32>,
      %broadcast_in_dim3A_46 = arith.constant 0.000000e+00 : f32
      %broadcast_in_dim3A_47 = vector.broadcast %broadcast_in_dim3A_46 : f32 to vector<16xf32>
      %swap3A_48 = arith.index_cast %scan3A_41 : i32 to index
      %swap3A_49 = arith.constant 16 : index
      %swap3A_50 = tpu.vector_load %arg14[%swap3A_48, %swap3A_49] {strides = array<i32>} : memref<128x128xf32, #tpu.memory_space<vmem>>, vector<16xf32>,
      tpu.vector_store %arg14[%swap3A_48, %swap3A_49], %broadcast_in_dim3A_47 {strides = array<i32>} : memref<128x128xf32, #tpu.memory_space<vmem>>, vector<16xf32>,
      %broadcast_in_dim3A_51 = arith.constant 0.000000e+00 : f32
      %broadcast_in_dim3A_52 = vector.broadcast %broadcast_in_dim3A_51 : f32 to vector<16xf32>
      %swap3A_53 = arith.index_cast %scan3A_41 : i32 to index
      %swap3A_54 = arith.constant 32 : index
      %swap3A_55 = tpu.vector_load %arg14[%swap3A_53, %swap3A_54] {strides = array<i32>} : memref<128x128xf32, #tpu.memory_space<vmem>>, vector<16xf32>,
      tpu.vector_store %arg14[%swap3A_53, %swap3A_54], %broadcast_in_dim3A_52 {strides = array<i32>} : memref<128x128xf32, #tpu.memory_space<vmem>>, vector<16xf32>,
      %broadcast_in_dim3A_56 = arith.constant 0.000000e+00 : f32
      %broadcast_in_dim3A_57 = vector.broadcast %broadcast_in_dim3A_56 : f32 to vector<16xf32>
      %swap3A_58 = arith.index_cast %scan3A_41 : i32 to index
      %swap3A_59 = arith.constant 48 : index
      %swap3A_60 = tpu.vector_load %arg14[%swap3A_58, %swap3A_59] {strides = array<i32>} : memref<128x128xf32, #tpu.memory_space<vmem>>, vector<16xf32>,
      tpu.vector_store %arg14[%swap3A_58, %swap3A_59], %broadcast_in_dim3A_57 {strides = array<i32>} : memref<128x128xf32, #tpu.memory_space<vmem>>, vector<16xf32>,
      %broadcast_in_dim3A_61 = arith.constant 0.000000e+00 : f32
      %broadcast_in_dim3A_62 = vector.broadcast %broadcast_in_dim3A_61 : f32 to vector<16xf32>
      %swap3A_63 = arith.index_cast %scan3A_41 : i32 to index
      %swap3A_64 = arith.constant 64 : index
      %swap3A_65 = tpu.vector_load %arg14[%swap3A_63, %swap3A_64] {strides = array<i32>} : memref<128x128xf32, #tpu.memory_space<vmem>>, vector<16xf32>,
      tpu.vector_store %arg14[%swap3A_63, %swap3A_64], %broadcast_in_dim3A_62 {strides = array<i32>} : memref<128x128xf32, #tpu.memory_space<vmem>>, vector<16xf32>,
      %broadcast_in_dim3A_66 = arith.constant 0.000000e+00 : f32
      %broadcast_in_dim3A_67 = vector.broadcast %broadcast_in_dim3A_66 : f32 to vector<16xf32>
      %swap3A_68 = arith.index_cast %scan3A_41 : i32 to index
      %swap3A_69 = arith.constant 80 : index
      %swap3A_70 = tpu.vector_load %arg14[%swap3A_68, %swap3A_69] {strides = array<i32>} : memref<128x128xf32, #tpu.memory_space<vmem>>, vector<16xf32>,
      tpu.vector_store %arg14[%swap3A_68, %swap3A_69], %broadcast_in_dim3A_67 {strides = array<i32>} : memref<128x128xf32, #tpu.memory_space<vmem>>, vector<16xf32>,
      %broadcast_in_dim3A_71 = arith.constant 0.000000e+00 : f32
      %broadcast_in_dim3A_72 = vector.broadcast %broadcast_in_dim3A_71 : f32 to vector<16xf32>
      %swap3A_73 = arith.index_cast %scan3A_41 : i32 to index
      %swap3A_74 = arith.constant 96 : index
      %swap3A_75 = tpu.vector_load %arg14[%swap3A_73, %swap3A_74] {strides = array<i32>} : memref<128x128xf32, #tpu.memory_space<vmem>>, vector<16xf32>,
      tpu.vector_store %arg14[%swap3A_73, %swap3A_74], %broadcast_in_dim3A_72 {strides = array<i32>} : memref<128x128xf32, #tpu.memory_space<vmem>>, vector<16xf32>,
      %broadcast_in_dim3A_76 = arith.constant 0.000000e+00 : f32
      %broadcast_in_dim3A_77 = vector.broadcast %broadcast_in_dim3A_76 : f32 to vector<16xf32>
      %swap3A_78 = arith.index_cast %scan3A_41 : i32 to index
      %swap3A_79 = arith.constant 112 : index
      %swap3A_80 = tpu.vector_load %arg14[%swap3A_78, %swap3A_79] {strides = array<i32>} : memref<128x128xf32, #tpu.memory_space<vmem>>, vector<16xf32>,
      tpu.vector_store %arg14[%swap3A_78, %swap3A_79], %broadcast_in_dim3A_77 {strides = array<i32>} : memref<128x128xf32, #tpu.memory_space<vmem>>, vector<16xf32>,
      %scan3A_81 = arith.constant 0 : i32
      scf.yield %scan3A_81 : i32
    }
    %scan3A_5 = arith.constant 128 : i32
    %mul3A = arith.constant 640 : i32
    %mul3A_6 = arith.muli %arg1, %mul3A : i32
    %add3A = arith.constant 0 : i32
    %add3A_7 = arith.addi %mul3A_6, %add3A : i32
    "tpu.region"() ({
      %run_scoped3A = tpu.sem_alloc : memref<!tpu.dma_semaphore, #tpu.memory_space<semaphore_mem>>
      %dma_start3A = arith.constant 0 : i32
      %dma_start3A_41 = tpu.memref_slice %arg15[%add3A_7, %dma_start3A] : memref<10240x128xf32, #tpu.memory_space<vmem_shared>> -> memref<128x128xf32, #tpu.memory_space<vmem_shared>>
      %dma_start3A_42 = arith.constant 0 : i32
      %dma_start3A_43 = tpu.memref_slice %arg15[%add3A_7, %dma_start3A_42] : memref<10240x128xf32, #tpu.memory_space<vmem_shared>> -> memref<128x128xf32, #tpu.memory_space<vmem_shared>>
      tpu.enqueue_dma source(%arg14 : memref<128x128xf32, #tpu.memory_space<vmem>>) target(%dma_start3A_43 : memref<128x128xf32, #tpu.memory_space<vmem_shared>>) target_semaphore(%run_scoped3A : memref<!tpu.dma_semaphore, #tpu.memory_space<semaphore_mem>>)
      %dma_wait3A = arith.constant 0 : i32
      %dma_wait3A_44 = tpu.memref_slice %arg15[%add3A_7, %dma_wait3A] : memref<10240x128xf32, #tpu.memory_space<vmem_shared>> -> memref<128x128xf32, #tpu.memory_space<vmem_shared>>
      %dma_wait3A_45 = arith.constant 0 : i32
      %dma_wait3A_46 = tpu.memref_slice %arg15[%add3A_7, %dma_wait3A_45] : memref<10240x128xf32, #tpu.memory_space<vmem_shared>> -> memref<128x128xf32, #tpu.memory_space<vmem_shared>>
      tpu.wait_dma2 semaphore(%run_scoped3A : memref<!tpu.dma_semaphore, #tpu.memory_space<semaphore_mem>>) src(%arg14 : memref<128x128xf32, #tpu.memory_space<vmem>>) dst(%dma_wait3A_46 : memref<128x128xf32, #tpu.memory_space<vmem_shared>>)
      tpu.yield
    }) : () -> ()
    %mul3A_8 = arith.constant 640 : i32
    %mul3A_9 = arith.muli %arg1, %mul3A_8 : i32
    %add3A_10 = arith.constant 128 : i32
    %add3A_11 = arith.addi %mul3A_9, %add3A_10 : i32
    "tpu.region"() ({
      %run_scoped3A = tpu.sem_alloc : memref<!tpu.dma_semaphore, #tpu.memory_space<semaphore_mem>>
      %dma_start3A = arith.constant 0 : i32
      %dma_start3A_41 = tpu.memref_slice %arg15[%add3A_11, %dma_start3A] : memref<10240x128xf32, #tpu.memory_space<vmem_shared>> -> memref<128x128xf32, #tpu.memory_space<vmem_shared>>
      %dma_start3A_42 = arith.constant 0 : i32
      %dma_start3A_43 = tpu.memref_slice %arg15[%add3A_11, %dma_start3A_42] : memref<10240x128xf32, #tpu.memory_space<vmem_shared>> -> memref<128x128xf32, #tpu.memory_space<vmem_shared>>
      tpu.enqueue_dma source(%arg14 : memref<128x128xf32, #tpu.memory_space<vmem>>) target(%dma_start3A_43 : memref<128x128xf32, #tpu.memory_space<vmem_shared>>) target_semaphore(%run_scoped3A : memref<!tpu.dma_semaphore, #tpu.memory_space<semaphore_mem>>)
      %dma_wait3A = arith.constant 0 : i32
      %dma_wait3A_44 = tpu.memref_slice %arg15[%add3A_11, %dma_wait3A] : memref<10240x128xf32, #tpu.memory_space<vmem_shared>> -> memref<128x128xf32, #tpu.memory_space<vmem_shared>>
      %dma_wait3A_45 = arith.constant 0 : i32
      %dma_wait3A_46 = tpu.memref_slice %arg15[%add3A_11, %dma_wait3A_45] : memref<10240x128xf32, #tpu.memory_space<vmem_shared>> -> memref<128x128xf32, #tpu.memory_space<vmem_shared>>
      tpu.wait_dma2 semaphore(%run_scoped3A : memref<!tpu.dma_semaphore, #tpu.memory_space<semaphore_mem>>) src(%arg14 : memref<128x128xf32, #tpu.memory_space<vmem>>) dst(%dma_wait3A_46 : memref<128x128xf32, #tpu.memory_space<vmem_shared>>)
      tpu.yield
    }) : () -> ()
    %mul3A_12 = arith.constant 640 : i32
    %mul3A_13 = arith.muli %arg1, %mul3A_12 : i32
    %add3A_14 = arith.constant 256 : i32
    %add3A_15 = arith.addi %mul3A_13, %add3A_14 : i32
    "tpu.region"() ({
      %run_scoped3A = tpu.sem_alloc : memref<!tpu.dma_semaphore, #tpu.memory_space<semaphore_mem>>
      %dma_start3A = arith.constant 0 : i32
      %dma_start3A_41 = tpu.memref_slice %arg15[%add3A_15, %dma_start3A] : memref<10240x128xf32, #tpu.memory_space<vmem_shared>> -> memref<128x128xf32, #tpu.memory_space<vmem_shared>>
      %dma_start3A_42 = arith.constant 0 : i32
      %dma_start3A_43 = tpu.memref_slice %arg15[%add3A_15, %dma_start3A_42] : memref<10240x128xf32, #tpu.memory_space<vmem_shared>> -> memref<128x128xf32, #tpu.memory_space<vmem_shared>>
      tpu.enqueue_dma source(%arg14 : memref<128x128xf32, #tpu.memory_space<vmem>>) target(%dma_start3A_43 : memref<128x128xf32, #tpu.memory_space<vmem_shared>>) target_semaphore(%run_scoped3A : memref<!tpu.dma_semaphore, #tpu.memory_space<semaphore_mem>>)
      %dma_wait3A = arith.constant 0 : i32
      %dma_wait3A_44 = tpu.memref_slice %arg15[%add3A_15, %dma_wait3A] : memref<10240x128xf32, #tpu.memory_space<vmem_shared>> -> memref<128x128xf32, #tpu.memory_space<vmem_shared>>
      %dma_wait3A_45 = arith.constant 0 : i32
      %dma_wait3A_46 = tpu.memref_slice %arg15[%add3A_15, %dma_wait3A_45] : memref<10240x128xf32, #tpu.memory_space<vmem_shared>> -> memref<128x128xf32, #tpu.memory_space<vmem_shared>>
      tpu.wait_dma2 semaphore(%run_scoped3A : memref<!tpu.dma_semaphore, #tpu.memory_space<semaphore_mem>>) src(%arg14 : memref<128x128xf32, #tpu.memory_space<vmem>>) dst(%dma_wait3A_46 : memref<128x128xf32, #tpu.memory_space<vmem_shared>>)
      tpu.yield
    }) : () -> ()
    %mul3A_16 = arith.constant 640 : i32
    %mul3A_17 = arith.muli %arg1, %mul3A_16 : i32
    %add3A_18 = arith.constant 384 : i32
    %add3A_19 = arith.addi %mul3A_17, %add3A_18 : i32
    "tpu.region"() ({
      %run_scoped3A = tpu.sem_alloc : memref<!tpu.dma_semaphore, #tpu.memory_space<semaphore_mem>>
      %dma_start3A = arith.constant 0 : i32
      %dma_start3A_41 = tpu.memref_slice %arg15[%add3A_19, %dma_start3A] : memref<10240x128xf32, #tpu.memory_space<vmem_shared>> -> memref<128x128xf32, #tpu.memory_space<vmem_shared>>
      %dma_start3A_42 = arith.constant 0 : i32
      %dma_start3A_43 = tpu.memref_slice %arg15[%add3A_19, %dma_start3A_42] : memref<10240x128xf32, #tpu.memory_space<vmem_shared>> -> memref<128x128xf32, #tpu.memory_space<vmem_shared>>
      tpu.enqueue_dma source(%arg14 : memref<128x128xf32, #tpu.memory_space<vmem>>) target(%dma_start3A_43 : memref<128x128xf32, #tpu.memory_space<vmem_shared>>) target_semaphore(%run_scoped3A : memref<!tpu.dma_semaphore, #tpu.memory_space<semaphore_mem>>)
      %dma_wait3A = arith.constant 0 : i32
      %dma_wait3A_44 = tpu.memref_slice %arg15[%add3A_19, %dma_wait3A] : memref<10240x128xf32, #tpu.memory_space<vmem_shared>> -> memref<128x128xf32, #tpu.memory_space<vmem_shared>>
      %dma_wait3A_45 = arith.constant 0 : i32
      %dma_wait3A_46 = tpu.memref_slice %arg15[%add3A_19, %dma_wait3A_45] : memref<10240x128xf32, #tpu.memory_space<vmem_shared>> -> memref<128x128xf32, #tpu.memory_space<vmem_shared>>
      tpu.wait_dma2 semaphore(%run_scoped3A : memref<!tpu.dma_semaphore, #tpu.memory_space<semaphore_mem>>) src(%arg14 : memref<128x128xf32, #tpu.memory_space<vmem>>) dst(%dma_wait3A_46 : memref<128x128xf32, #tpu.memory_space<vmem_shared>>)
      tpu.yield
    }) : () -> ()
    %mul3A_20 = arith.constant 640 : i32
    %mul3A_21 = arith.muli %arg1, %mul3A_20 : i32
    %add3A_22 = arith.constant 512 : i32
    %add3A_23 = arith.addi %mul3A_21, %add3A_22 : i32
    "tpu.region"() ({
      %run_scoped3A = tpu.sem_alloc : memref<!tpu.dma_semaphore, #tpu.memory_space<semaphore_mem>>
      %dma_start3A = arith.constant 0 : i32
      %dma_start3A_41 = tpu.memref_slice %arg15[%add3A_23, %dma_start3A] : memref<10240x128xf32, #tpu.memory_space<vmem_shared>> -> memref<128x128xf32, #tpu.memory_space<vmem_shared>>
      %dma_start3A_42 = arith.constant 0 : i32
      %dma_start3A_43 = tpu.memref_slice %arg15[%add3A_23, %dma_start3A_42] : memref<10240x128xf32, #tpu.memory_space<vmem_shared>> -> memref<128x128xf32, #tpu.memory_space<vmem_shared>>
      tpu.enqueue_dma source(%arg14 : memref<128x128xf32, #tpu.memory_space<vmem>>) target(%dma_start3A_43 : memref<128x128xf32, #tpu.memory_space<vmem_shared>>) target_semaphore(%run_scoped3A : memref<!tpu.dma_semaphore, #tpu.memory_space<semaphore_mem>>)
      %dma_wait3A = arith.constant 0 : i32
      %dma_wait3A_44 = tpu.memref_slice %arg15[%add3A_23, %dma_wait3A] : memref<10240x128xf32, #tpu.memory_space<vmem_shared>> -> memref<128x128xf32, #tpu.memory_space<vmem_shared>>
      %dma_wait3A_45 = arith.constant 0 : i32
      %dma_wait3A_46 = tpu.memref_slice %arg15[%add3A_23, %dma_wait3A_45] : memref<10240x128xf32, #tpu.memory_space<vmem_shared>> -> memref<128x128xf32, #tpu.memory_space<vmem_shared>>
      tpu.wait_dma2 semaphore(%run_scoped3A : memref<!tpu.dma_semaphore, #tpu.memory_space<semaphore_mem>>) src(%arg14 : memref<128x128xf32, #tpu.memory_space<vmem>>) dst(%dma_wait3A_46 : memref<128x128xf32, #tpu.memory_space<vmem_shared>>)
      tpu.yield
    }) : () -> ()
    %barrier3A = arith.constant 0 : index
    tpu.barrier barrier_id(%barrier3A)
    %mul3A_24 = arith.constant 323584 : i32
    %mul3A_25 = arith.muli %arg0, %mul3A_24 : i32
    %mul3A_26 = arith.constant 20224 : i32
    %mul3A_27 = arith.muli %arg1, %mul3A_26 : i32
    %add3A_28 = arith.addi %mul3A_25, %mul3A_27 : i32
    %scan3A_29 = arith.constant 0 : i32
    %scan3A_30 = arith.constant 0 : i32
    %scan3A_31 = arith.constant 158 : i32
    %scan3A_32 = arith.addi %scan3A_30, %scan3A_31 : i32
    %scan3A_33 = arith.constant 1 : i32
    %scan3A_34 = scf.for %scan3A_41 = %scan3A_30 to %scan3A_32 step %scan3A_33 iter_args(%scan3A_42 = %scan3A_29) -> (i32)  : i32 {
      %mul3A_43 = arith.constant 128 : i32
      %mul3A_44 = arith.muli %scan3A_41, %mul3A_43 : i32
      %add3A_45 = arith.addi %add3A_28, %mul3A_44 : i32
      "tpu.region"() ({
        %run_scoped3A = tpu.sem_alloc : memref<!tpu.dma_semaphore, #tpu.memory_space<semaphore_mem>>
        %dma_start3A_65 = tpu.memref_slice %arg3[%add3A_45] : memref<647168xi32, #tpu.memory_space<hbm>> -> memref<128xi32, #tpu.memory_space<hbm>>
        %dma_start3A_66 = tpu.memref_slice %arg3[%add3A_45] : memref<647168xi32, #tpu.memory_space<hbm>> -> memref<128xi32, #tpu.memory_space<hbm>>
        tpu.enqueue_dma source(%dma_start3A_66 : memref<128xi32, #tpu.memory_space<hbm>>) target(%arg9 : memref<128xi32, #tpu.memory_space<vmem>>) target_semaphore(%run_scoped3A : memref<!tpu.dma_semaphore, #tpu.memory_space<semaphore_mem>>)
        %dma_wait3A_67 = tpu.memref_slice %arg3[%add3A_45] : memref<647168xi32, #tpu.memory_space<hbm>> -> memref<128xi32, #tpu.memory_space<hbm>>
        %dma_wait3A_68 = tpu.memref_slice %arg3[%add3A_45] : memref<647168xi32, #tpu.memory_space<hbm>> -> memref<128xi32, #tpu.memory_space<hbm>>
        tpu.wait_dma2 semaphore(%run_scoped3A : memref<!tpu.dma_semaphore, #tpu.memory_space<semaphore_mem>>) src(%dma_wait3A_68 : memref<128xi32, #tpu.memory_space<hbm>>) dst(%arg9 : memref<128xi32, #tpu.memory_space<vmem>>)
        tpu.yield
      }) : () -> ()
      "tpu.region"() ({
        %run_scoped3A = tpu.sem_alloc : memref<!tpu.dma_semaphore, #tpu.memory_space<semaphore_mem>>
        %dma_start3A_65 = tpu.memref_slice %arg4[%add3A_45] : memref<647168xi32, #tpu.memory_space<hbm>> -> memref<128xi32, #tpu.memory_space<hbm>>
        %dma_start3A_66 = tpu.memref_slice %arg4[%add3A_45] : memref<647168xi32, #tpu.memory_space<hbm>> -> memref<128xi32, #tpu.memory_space<hbm>>
        tpu.enqueue_dma source(%dma_start3A_66 : memref<128xi32, #tpu.memory_space<hbm>>) target(%arg10 : memref<128xi32, #tpu.memory_space<vmem>>) target_semaphore(%run_scoped3A : memref<!tpu.dma_semaphore, #tpu.memory_space<semaphore_mem>>)
        %dma_wait3A_67 = tpu.memref_slice %arg4[%add3A_45] : memref<647168xi32, #tpu.memory_space<hbm>> -> memref<128xi32, #tpu.memory_space<hbm>>
        %dma_wait3A_68 = tpu.memref_slice %arg4[%add3A_45] : memref<647168xi32, #tpu.memory_space<hbm>> -> memref<128xi32, #tpu.memory_space<hbm>>
        tpu.wait_dma2 semaphore(%run_scoped3A : memref<!tpu.dma_semaphore, #tpu.memory_space<semaphore_mem>>) src(%dma_wait3A_68 : memref<128xi32, #tpu.memory_space<hbm>>) dst(%arg10 : memref<128xi32, #tpu.memory_space<vmem>>)
        tpu.yield
      }) : () -> ()
      "tpu.region"() ({
        %run_scoped3A = tpu.sem_alloc : memref<!tpu.dma_semaphore, #tpu.memory_space<semaphore_mem>>
        %dma_start3A_65 = tpu.memref_slice %arg5[%add3A_45] : memref<647168xi32, #tpu.memory_space<hbm>> -> memref<128xi32, #tpu.memory_space<hbm>>
        %dma_start3A_66 = tpu.memref_slice %arg5[%add3A_45] : memref<647168xi32, #tpu.memory_space<hbm>> -> memref<128xi32, #tpu.memory_space<hbm>>
        tpu.enqueue_dma source(%dma_start3A_66 : memref<128xi32, #tpu.memory_space<hbm>>) target(%arg11 : memref<128xi32, #tpu.memory_space<vmem>>) target_semaphore(%run_scoped3A : memref<!tpu.dma_semaphore, #tpu.memory_space<semaphore_mem>>)
        %dma_wait3A_67 = tpu.memref_slice %arg5[%add3A_45] : memref<647168xi32, #tpu.memory_space<hbm>> -> memref<128xi32, #tpu.memory_space<hbm>>
        %dma_wait3A_68 = tpu.memref_slice %arg5[%add3A_45] : memref<647168xi32, #tpu.memory_space<hbm>> -> memref<128xi32, #tpu.memory_space<hbm>>
        tpu.wait_dma2 semaphore(%run_scoped3A : memref<!tpu.dma_semaphore, #tpu.memory_space<semaphore_mem>>) src(%dma_wait3A_68 : memref<128xi32, #tpu.memory_space<hbm>>) dst(%arg11 : memref<128xi32, #tpu.memory_space<vmem>>)
        tpu.yield
      }) : () -> ()
      %dma_start3A = arith.constant 0 : i32
      %dma_start3A_46 = arith.constant 0 : i32
      %dma_start3A_47 = tpu.memref_slice %arg2[%dma_start3A, %dma_start3A_46] : memref<10240x128xf32, #tpu.memory_space<hbm>> -> memref<10240x128xf32, #tpu.memory_space<hbm>>
      tpu.enqueue_indirect_dma source(%dma_start3A_47 : memref<10240x128xf32, #tpu.memory_space<hbm>>) target(%arg13 : memref<128x128xf32, #tpu.memory_space<vmem>>) offsets(%arg9 : memref<128xi32, #tpu.memory_space<vmem>>) semaphore(%arg16 : memref<!tpu.dma_semaphore, #tpu.memory_space<semaphore_mem>>)
      %dma_wait3A = arith.constant 0 : i32
      %dma_wait3A_48 = arith.constant 0 : i32
      %dma_wait3A_49 = tpu.memref_slice %arg2[%dma_wait3A, %dma_wait3A_48] : memref<10240x128xf32, #tpu.memory_space<hbm>> -> memref<10240x128xf32, #tpu.memory_space<hbm>>
      tpu.wait_indirect_dma semaphore(%arg16 : memref<!tpu.dma_semaphore, #tpu.memory_space<semaphore_mem>>) src(%dma_wait3A_49 : memref<10240x128xf32, #tpu.memory_space<hbm>>) dst(%arg13 : memref<128x128xf32, #tpu.memory_space<vmem>>)
      %scan3A_50 = arith.constant 0 : i32
      %scan3A_51 = arith.constant 0 : i32
      %scan3A_52 = arith.constant 8 : i32
      %scan3A_53 = arith.addi %scan3A_51, %scan3A_52 : i32
      %scan3A_54 = arith.constant 1 : i32
      %scan3A_55 = scf.for %scan3A_65 = %scan3A_51 to %scan3A_53 step %scan3A_54 iter_args(%scan3A_66 = %scan3A_50) -> (i32)  : i32 {
        %mul3A_67 = arith.constant 16 : i32
        %mul3A_68 = arith.muli %scan3A_65, %mul3A_67 : i32
        %get3A = arith.index_cast %mul3A_68 : i32 to index
        %get3A_69 = tpu.vector_load %arg11[%get3A] {strides = array<i32>} : memref<128xi32, #tpu.memory_space<vmem>>, vector<16xi32>,
        %gather3A = tpu.vector_load_idx %arg8[%get3A_69] : memref<10240xf32, #tpu.memory_space<vmem>>[vector<16xi32>], vector<16xf32>,
        %mul3A_70 = arith.constant 16 : i32
        %mul3A_71 = arith.muli %scan3A_65, %mul3A_70 : i32
        %swap3A = arith.index_cast %mul3A_71 : i32 to index
        %swap3A_72 = tpu.vector_load %arg12[%swap3A] {strides = array<i32>} : memref<128xf32, #tpu.memory_space<vmem>>, vector<16xf32>,
        tpu.vector_store %arg12[%swap3A], %gather3A {strides = array<i32>} : memref<128xf32, #tpu.memory_space<vmem>>, vector<16xf32>,
        %scan3A_73 = arith.constant 0 : i32
        scf.yield %scan3A_73 : i32
      }
      %scan3A_56 = arith.constant 8 : i32
      %scan3A_57 = arith.constant 0 : i32
      %scan3A_58 = arith.constant 0 : i32
      %scan3A_59 = arith.constant 128 : i32
      %scan3A_60 = arith.addi %scan3A_58, %scan3A_59 : i32
      %scan3A_61 = arith.constant 1 : i32
      %scan3A_62 = scf.for %scan3A_65 = %scan3A_58 to %scan3A_60 step %scan3A_61 iter_args(%scan3A_66 = %scan3A_57) -> (i32)  : i32 {
        %broadcast_in_dim3A = vector.broadcast %scan3A_65 : i32 to vector<16xi32>
        %gather3A = tpu.vector_load_idx %arg12[%broadcast_in_dim3A] : memref<128xf32, #tpu.memory_space<vmem>>[vector<16xi32>], vector<16xf32>,
        %get3A = arith.index_cast %scan3A_65 : i32 to index
        %get3A_67 = arith.constant 0 : index
        %get3A_68 = tpu.vector_load %arg13[%get3A, %get3A_67] {strides = array<i32>} : memref<128x128xf32, #tpu.memory_space<vmem>>, vector<16xf32>,
        %mul3A_69 = arith.mulf %get3A_68, %gather3A : vector<16xf32>
        %swap3A = arith.index_cast %scan3A_65 : i32 to index
        %swap3A_70 = arith.constant 0 : index
        %swap3A_71 = tpu.vector_load %arg13[%swap3A, %swap3A_70] {strides = array<i32>} : memref<128x128xf32, #tpu.memory_space<vmem>>, vector<16xf32>,
        tpu.vector_store %arg13[%swap3A, %swap3A_70], %mul3A_69 {strides = array<i32>} : memref<128x128xf32, #tpu.memory_space<vmem>>, vector<16xf32>,
        %get3A_72 = arith.index_cast %scan3A_65 : i32 to index
        %get3A_73 = arith.constant 16 : index
        %get3A_74 = tpu.vector_load %arg13[%get3A_72, %get3A_73] {strides = array<i32>} : memref<128x128xf32, #tpu.memory_space<vmem>>, vector<16xf32>,
        %mul3A_75 = arith.mulf %get3A_74, %gather3A : vector<16xf32>
        %swap3A_76 = arith.index_cast %scan3A_65 : i32 to index
        %swap3A_77 = arith.constant 16 : index
        %swap3A_78 = tpu.vector_load %arg13[%swap3A_76, %swap3A_77] {strides = array<i32>} : memref<128x128xf32, #tpu.memory_space<vmem>>, vector<16xf32>,
        tpu.vector_store %arg13[%swap3A_76, %swap3A_77], %mul3A_75 {strides = array<i32>} : memref<128x128xf32, #tpu.memory_space<vmem>>, vector<16xf32>,
        %get3A_79 = arith.index_cast %scan3A_65 : i32 to index
        %get3A_80 = arith.constant 32 : index
        %get3A_81 = tpu.vector_load %arg13[%get3A_79, %get3A_80] {strides = array<i32>} : memref<128x128xf32, #tpu.memory_space<vmem>>, vector<16xf32>,
        %mul3A_82 = arith.mulf %get3A_81, %gather3A : vector<16xf32>
        %swap3A_83 = arith.index_cast %scan3A_65 : i32 to index
        %swap3A_84 = arith.constant 32 : index
        %swap3A_85 = tpu.vector_load %arg13[%swap3A_83, %swap3A_84] {strides = array<i32>} : memref<128x128xf32, #tpu.memory_space<vmem>>, vector<16xf32>,
        tpu.vector_store %arg13[%swap3A_83, %swap3A_84], %mul3A_82 {strides = array<i32>} : memref<128x128xf32, #tpu.memory_space<vmem>>, vector<16xf32>,
        %get3A_86 = arith.index_cast %scan3A_65 : i32 to index
        %get3A_87 = arith.constant 48 : index
        %get3A_88 = tpu.vector_load %arg13[%get3A_86, %get3A_87] {strides = array<i32>} : memref<128x128xf32, #tpu.memory_space<vmem>>, vector<16xf32>,
        %mul3A_89 = arith.mulf %get3A_88, %gather3A : vector<16xf32>
        %swap3A_90 = arith.index_cast %scan3A_65 : i32 to index
        %swap3A_91 = arith.constant 48 : index
        %swap3A_92 = tpu.vector_load %arg13[%swap3A_90, %swap3A_91] {strides = array<i32>} : memref<128x128xf32, #tpu.memory_space<vmem>>, vector<16xf32>,
        tpu.vector_store %arg13[%swap3A_90, %swap3A_91], %mul3A_89 {strides = array<i32>} : memref<128x128xf32, #tpu.memory_space<vmem>>, vector<16xf32>,
        %get3A_93 = arith.index_cast %scan3A_65 : i32 to index
        %get3A_94 = arith.constant 64 : index
        %get3A_95 = tpu.vector_load %arg13[%get3A_93, %get3A_94] {strides = array<i32>} : memref<128x128xf32, #tpu.memory_space<vmem>>, vector<16xf32>,
        %mul3A_96 = arith.mulf %get3A_95, %gather3A : vector<16xf32>
        %swap3A_97 = arith.index_cast %scan3A_65 : i32 to index
        %swap3A_98 = arith.constant 64 : index
        %swap3A_99 = tpu.vector_load %arg13[%swap3A_97, %swap3A_98] {strides = array<i32>} : memref<128x128xf32, #tpu.memory_space<vmem>>, vector<16xf32>,
        tpu.vector_store %arg13[%swap3A_97, %swap3A_98], %mul3A_96 {strides = array<i32>} : memref<128x128xf32, #tpu.memory_space<vmem>>, vector<16xf32>,
        %get3A_100 = arith.index_cast %scan3A_65 : i32 to index
        %get3A_101 = arith.constant 80 : index
        %get3A_102 = tpu.vector_load %arg13[%get3A_100, %get3A_101] {strides = array<i32>} : memref<128x128xf32, #tpu.memory_space<vmem>>, vector<16xf32>,
        %mul3A_103 = arith.mulf %get3A_102, %gather3A : vector<16xf32>
        %swap3A_104 = arith.index_cast %scan3A_65 : i32 to index
        %swap3A_105 = arith.constant 80 : index
        %swap3A_106 = tpu.vector_load %arg13[%swap3A_104, %swap3A_105] {strides = array<i32>} : memref<128x128xf32, #tpu.memory_space<vmem>>, vector<16xf32>,
        tpu.vector_store %arg13[%swap3A_104, %swap3A_105], %mul3A_103 {strides = array<i32>} : memref<128x128xf32, #tpu.memory_space<vmem>>, vector<16xf32>,
        %get3A_107 = arith.index_cast %scan3A_65 : i32 to index
        %get3A_108 = arith.constant 96 : index
        %get3A_109 = tpu.vector_load %arg13[%get3A_107, %get3A_108] {strides = array<i32>} : memref<128x128xf32, #tpu.memory_space<vmem>>, vector<16xf32>,
        %mul3A_110 = arith.mulf %get3A_109, %gather3A : vector<16xf32>
        %swap3A_111 = arith.index_cast %scan3A_65 : i32 to index
        %swap3A_112 = arith.constant 96 : index
        %swap3A_113 = tpu.vector_load %arg13[%swap3A_111, %swap3A_112] {strides = array<i32>} : memref<128x128xf32, #tpu.memory_space<vmem>>, vector<16xf32>,
        tpu.vector_store %arg13[%swap3A_111, %swap3A_112], %mul3A_110 {strides = array<i32>} : memref<128x128xf32, #tpu.memory_space<vmem>>, vector<16xf32>,
        %get3A_114 = arith.index_cast %scan3A_65 : i32 to index
        %get3A_115 = arith.constant 112 : index
        %get3A_116 = tpu.vector_load %arg13[%get3A_114, %get3A_115] {strides = array<i32>} : memref<128x128xf32, #tpu.memory_space<vmem>>, vector<16xf32>,
        %mul3A_117 = arith.mulf %get3A_116, %gather3A : vector<16xf32>
        %swap3A_118 = arith.index_cast %scan3A_65 : i32 to index
        %swap3A_119 = arith.constant 112 : index
        %swap3A_120 = tpu.vector_load %arg13[%swap3A_118, %swap3A_119] {strides = array<i32>} : memref<128x128xf32, #tpu.memory_space<vmem>>, vector<16xf32>,
        tpu.vector_store %arg13[%swap3A_118, %swap3A_119], %mul3A_117 {strides = array<i32>} : memref<128x128xf32, #tpu.memory_space<vmem>>, vector<16xf32>,
        %scan3A_121 = arith.constant 0 : i32
        scf.yield %scan3A_121 : i32
      }
      %scan3A_63 = arith.constant 128 : i32
      "tpu.region"() ({
        %run_scoped3A = tpu.sem_alloc : memref<!tpu.dma_semaphore, #tpu.memory_space<semaphore_mem>>
        %dma_start3A_65 = arith.constant 0 : i32
        %dma_start3A_66 = arith.constant 0 : i32
        %dma_start3A_67 = tpu.memref_slice %arg15[%dma_start3A_65, %dma_start3A_66] : memref<10240x128xf32, #tpu.memory_space<vmem_shared>> -> memref<10240x128xf32, #tpu.memory_space<vmem_shared>>
        tpu.enqueue_indirect_dma source(%arg13 : memref<128x128xf32, #tpu.memory_space<vmem>>) target(%dma_start3A_67 : memref<10240x128xf32, #tpu.memory_space<vmem_shared>>) offsets(%arg10 : memref<128xi32, #tpu.memory_space<vmem>>) semaphore(%run_scoped3A : memref<!tpu.dma_semaphore, #tpu.memory_space<semaphore_mem>>) {add = true}
        %dma_wait3A_68 = arith.constant 0 : i32
        %dma_wait3A_69 = arith.constant 0 : i32
        %dma_wait3A_70 = tpu.memref_slice %arg15[%dma_wait3A_68, %dma_wait3A_69] : memref<10240x128xf32, #tpu.memory_space<vmem_shared>> -> memref<10240x128xf32, #tpu.memory_space<vmem_shared>>
        tpu.wait_indirect_dma semaphore(%run_scoped3A : memref<!tpu.dma_semaphore, #tpu.memory_space<semaphore_mem>>) src(%arg13 : memref<128x128xf32, #tpu.memory_space<vmem>>) dst(%dma_wait3A_70 : memref<10240x128xf32, #tpu.memory_space<vmem_shared>>)
        tpu.yield
      }) : () -> ()
      %scan3A_64 = arith.constant 0 : i32
      scf.yield %scan3A_64 : i32
    }
    %scan3A_35 = arith.constant 158 : i32
    %barrier3A_36 = arith.constant 0 : index
    tpu.barrier barrier_id(%barrier3A_36)
    %mul3A_37 = arith.constant 640 : i32
    %mul3A_38 = arith.muli %arg1, %mul3A_37 : i32
    %mul3A_39 = arith.constant 640 : i32
    %mul3A_40 = arith.muli %arg1, %mul3A_39 : i32
    "tpu.region"() ({
      %run_scoped3A = tpu.sem_alloc : memref<!tpu.dma_semaphore, #tpu.memory_space<semaphore_mem>>
      %dma_start3A = arith.constant 0 : i32
      %dma_start3A_41 = tpu.memref_slice %arg7[%arg0, %mul3A_40, %dma_start3A] : memref<2x10240x128xf32, #tpu.memory_space<hbm>> -> memref<1x640x128xf32, #tpu.memory_space<hbm>>
      %dma_start3A_42 = tpu.memref_squeeze %dma_start3A_41 : memref<1x640x128xf32, #tpu.memory_space<hbm>> -> memref<640x128xf32, #tpu.memory_space<hbm>>
      %dma_start3A_43 = arith.constant 0 : i32
      %dma_start3A_44 = tpu.memref_slice %arg15[%mul3A_38, %dma_start3A_43] : memref<10240x128xf32, #tpu.memory_space<vmem_shared>> -> memref<640x128xf32, #tpu.memory_space<vmem_shared>>
      tpu.enqueue_dma source(%dma_start3A_44 : memref<640x128xf32, #tpu.memory_space<vmem_shared>>) target(%dma_start3A_42 : memref<640x128xf32, #tpu.memory_space<hbm>>) target_semaphore(%run_scoped3A : memref<!tpu.dma_semaphore, #tpu.memory_space<semaphore_mem>>)
      %dma_wait3A = arith.constant 0 : i32
      %dma_wait3A_45 = tpu.memref_slice %arg7[%arg0, %mul3A_40, %dma_wait3A] : memref<2x10240x128xf32, #tpu.memory_space<hbm>> -> memref<1x640x128xf32, #tpu.memory_space<hbm>>
      %dma_wait3A_46 = tpu.memref_squeeze %dma_wait3A_45 : memref<1x640x128xf32, #tpu.memory_space<hbm>> -> memref<640x128xf32, #tpu.memory_space<hbm>>
      %dma_wait3A_47 = arith.constant 0 : i32
      %dma_wait3A_48 = tpu.memref_slice %arg15[%mul3A_38, %dma_wait3A_47] : memref<10240x128xf32, #tpu.memory_space<vmem_shared>> -> memref<640x128xf32, #tpu.memory_space<vmem_shared>>
      tpu.wait_dma2 semaphore(%run_scoped3A : memref<!tpu.dma_semaphore, #tpu.memory_space<semaphore_mem>>) src(%dma_wait3A_48 : memref<640x128xf32, #tpu.memory_space<vmem_shared>>) dst(%dma_wait3A_46 : memref<640x128xf32, #tpu.memory_space<hbm>>)
      tpu.yield
    }) : () -> ()
    return
  }
}

module attributes {stable_mosaic.version = 14 : i64} {
  func.func @_gates_body(%arg0: i32, %arg1: memref<512x128xf32, #tpu.memory_space<vmem>>, %arg2: memref<1x512x128xf32, #tpu.memory_space<vmem>>, %arg3: memref<1x512x128xf32, #tpu.memory_space<vmem>>, %arg4: memref<384x256xf32, #tpu.memory_space<vmem>>, %arg5: memref<1x256xf32, #tpu.memory_space<vmem>>, %arg6: memref<128x64xf32, #tpu.memory_space<vmem>>, %arg7: memref<1x64xf32, #tpu.memory_space<vmem>>, %arg8: memref<512x64xf32, #tpu.memory_space<vmem>>) attributes {dimension_semantics = [#tpu.dimension_semantics<arbitrary>], iteration_bounds = array<i64: 20>, scalar_prefetch = 0 : i64, scratch_operands = 0 : i64, tpu.core_type = #tpu.core_type<tc>, window_params = [{transform_indices = @transform_0, window_bounds = array<i64: 512, 128>}, {transform_indices = @transform_1, window_bounds = array<i64: 1, 512, 128>}, {transform_indices = @transform_2, window_bounds = array<i64: 1, 512, 128>}, {pipeline_mode = #tpu.pipeline_mode<synchronous>, transform_indices = @transform_3, window_bounds = array<i64: 384, 256>}, {pipeline_mode = #tpu.pipeline_mode<synchronous>, transform_indices = @transform_4, window_bounds = array<i64: 1, 256>}, {pipeline_mode = #tpu.pipeline_mode<synchronous>, transform_indices = @transform_5, window_bounds = array<i64: 128, 64>}, {pipeline_mode = #tpu.pipeline_mode<synchronous>, transform_indices = @transform_6, window_bounds = array<i64: 1, 64>}, {transform_indices = @transform_7, window_bounds = array<i64: 512, 64>}]} {
    %get3A = arith.constant 0 : index
    %get3A_0 = arith.constant 0 : index
    %get3A_1 = vector.load %arg4[%get3A, %get3A_0] : memref<384x256xf32, #tpu.memory_space<vmem>>, vector<384x256xf32>
    %get3A_2 = arith.constant 0 : index
    %get3A_3 = arith.constant 0 : index
    %get3A_4 = vector.load %arg1[%get3A_2, %get3A_3] : memref<512x128xf32, #tpu.memory_space<vmem>>, vector<512x128xf32>
    %slice3A = vector.extract_strided_slice %get3A_1 {offsets = [0, 0], sizes = [128, 256], strides = [1, 1]} : vector<384x256xf32> to vector<128x256xf32>
    %dot_general3A = arith.constant dense<0.000000e+00> : vector<512x256xf32>
    %dot_general3A_5 = tpu.matmul %get3A_4, %slice3A, %dot_general3A {dimension_numbers = #tpu.dot_dimension_numbers<[1], [0], [0], [1], [0, 0, 1, 1], [], []>, transpose_lhs_hint = false} : vector<512x128xf32>, vector<128x256xf32>, vector<512x256xf32> -> vector<512x256xf32>
    %get3A_6 = arith.constant 0 : index
    %get3A_7 = arith.constant 0 : index
    %get3A_8 = arith.constant 0 : index
    %get3A_9 = vector.load %arg2[%get3A_6, %get3A_7, %get3A_8] : memref<1x512x128xf32, #tpu.memory_space<vmem>>, vector<1x512x128xf32>
    %get3A_10 = vector.shape_cast %get3A_9 : vector<1x512x128xf32> to vector<512x128xf32>
    %slice3A_11 = vector.extract_strided_slice %get3A_1 {offsets = [128, 0], sizes = [128, 256], strides = [1, 1]} : vector<384x256xf32> to vector<128x256xf32>
    %dot_general3A_12 = arith.constant dense<0.000000e+00> : vector<512x256xf32>
    %dot_general3A_13 = tpu.matmul %get3A_10, %slice3A_11, %dot_general3A_12 {dimension_numbers = #tpu.dot_dimension_numbers<[1], [0], [0], [1], [0, 0, 1, 1], [], []>, transpose_lhs_hint = false} : vector<512x128xf32>, vector<128x256xf32>, vector<512x256xf32> -> vector<512x256xf32>
    %add3A = arith.addf %dot_general3A_5, %dot_general3A_13 : vector<512x256xf32>
    %get3A_14 = arith.constant 0 : index
    %get3A_15 = arith.constant 0 : index
    %get3A_16 = arith.constant 0 : index
    %get3A_17 = vector.load %arg3[%get3A_14, %get3A_15, %get3A_16] : memref<1x512x128xf32, #tpu.memory_space<vmem>>, vector<1x512x128xf32>
    %get3A_18 = vector.shape_cast %get3A_17 : vector<1x512x128xf32> to vector<512x128xf32>
    %slice3A_19 = vector.extract_strided_slice %get3A_1 {offsets = [256, 0], sizes = [128, 256], strides = [1, 1]} : vector<384x256xf32> to vector<128x256xf32>
    %dot_general3A_20 = arith.constant dense<0.000000e+00> : vector<512x256xf32>
    %dot_general3A_21 = tpu.matmul %get3A_18, %slice3A_19, %dot_general3A_20 {dimension_numbers = #tpu.dot_dimension_numbers<[1], [0], [0], [1], [0, 0, 1, 1], [], []>, transpose_lhs_hint = false} : vector<512x128xf32>, vector<128x256xf32>, vector<512x256xf32> -> vector<512x256xf32>
    %add3A_22 = arith.addf %add3A, %dot_general3A_21 : vector<512x256xf32>
    %get3A_23 = arith.constant 0 : index
    %get3A_24 = arith.constant 0 : index
    %get3A_25 = vector.load %arg5[%get3A_23, %get3A_24] : memref<1x256xf32, #tpu.memory_space<vmem>>, vector<1x256xf32>
    %add3A_26 = vector.broadcast %get3A_25 : vector<1x256xf32> to vector<512x256xf32>
    %add3A_27 = arith.addf %add3A_22, %add3A_26 : vector<512x256xf32>
    %slice3A_28 = vector.extract_strided_slice %add3A_27 {offsets = [0, 0], sizes = [512, 128], strides = [1, 1]} : vector<512x256xf32> to vector<512x128xf32>
    %logistic3A = arith.negf %slice3A_28 : vector<512x128xf32>
    %logistic3A_29 = math.exp %logistic3A : vector<512x128xf32>
    %logistic3A_30 = arith.constant 1.000000e+00 : f32
    %logistic3A_31 = vector.broadcast %logistic3A_30 : f32 to vector<512x128xf32>
    %logistic3A_32 = arith.addf %logistic3A_31, %logistic3A_29 : vector<512x128xf32>
    %logistic3A_33 = arith.divf %logistic3A_31, %logistic3A_32 : vector<512x128xf32>
    %slice3A_34 = vector.extract_strided_slice %add3A_27 {offsets = [0, 128], sizes = [512, 128], strides = [1, 1]} : vector<512x256xf32> to vector<512x128xf32>
    %tanh3A = math.tanh %slice3A_34 : vector<512x128xf32>
    %sub3A = arith.constant 1.000000e+00 : f32
    %sub3A_35 = vector.broadcast %sub3A : f32 to vector<512x128xf32>
    %sub3A_36 = arith.subf %sub3A_35, %logistic3A_33 : vector<512x128xf32>
    %mul3A = arith.mulf %sub3A_36, %tanh3A : vector<512x128xf32>
    %max3A = arith.constant 0.000000e+00 : f32
    %max3A_37 = vector.broadcast %max3A : f32 to vector<512x128xf32>
    %max3A_38 = arith.maximumf %mul3A, %max3A_37 : vector<512x128xf32>
    %get3A_39 = arith.constant 0 : index
    %get3A_40 = arith.constant 0 : index
    %get3A_41 = vector.load %arg6[%get3A_39, %get3A_40] : memref<128x64xf32, #tpu.memory_space<vmem>>, vector<128x64xf32>
    %dot_general3A_42 = arith.constant dense<0.000000e+00> : vector<512x64xf32>
    %dot_general3A_43 = tpu.matmul %max3A_38, %get3A_41, %dot_general3A_42 {dimension_numbers = #tpu.dot_dimension_numbers<[1], [0], [0], [1], [0, 0, 1, 1], [], []>, transpose_lhs_hint = false} : vector<512x128xf32>, vector<128x64xf32>, vector<512x64xf32> -> vector<512x64xf32>
    %get3A_44 = arith.constant 0 : index
    %get3A_45 = arith.constant 0 : index
    %get3A_46 = vector.load %arg7[%get3A_44, %get3A_45] : memref<1x64xf32, #tpu.memory_space<vmem>>, vector<1x64xf32>
    %add3A_47 = vector.broadcast %get3A_46 : vector<1x64xf32> to vector<512x64xf32>
    %add3A_48 = arith.addf %dot_general3A_43, %add3A_47 : vector<512x64xf32>
    %swap3A = arith.constant 0 : index
    %swap3A_49 = arith.constant 0 : index
    %swap3A_50 = vector.load %arg8[%swap3A, %swap3A_49] : memref<512x64xf32, #tpu.memory_space<vmem>>, vector<512x64xf32>
    tpu.vector_store %arg8[%swap3A, %swap3A_49], %add3A_48 {strides = array<i32>} : memref<512x64xf32, #tpu.memory_space<vmem>>, vector<512x64xf32>,
    return
  }
  func.func @transform_0(%arg0: i32) -> (i32, i32) {
    %c0_i32 = arith.constant 0 : i32
    %c0_i32_0 = arith.constant 0 : i32
    return %arg0, %c0_i32 : i32, i32
  }
  func.func @transform_1(%arg0: i32) -> (i32, i32, i32) {
    %c0_i32 = arith.constant 0 : i32
    %c0_i32_0 = arith.constant 0 : i32
    %c0_i32_1 = arith.constant 0 : i32
    return %c0_i32, %arg0, %c0_i32_0 : i32, i32, i32
  }
  func.func @transform_2(%arg0: i32) -> (i32, i32, i32) {
    %c1_i32 = arith.constant 1 : i32
    %c0_i32 = arith.constant 0 : i32
    %c0_i32_0 = arith.constant 0 : i32
    return %c1_i32, %arg0, %c0_i32 : i32, i32, i32
  }
  func.func @transform_3(%arg0: i32) -> (i32, i32) {
    %c0_i32 = arith.constant 0 : i32
    %c0_i32_0 = arith.constant 0 : i32
    %c0_i32_1 = arith.constant 0 : i32
    return %c0_i32, %c0_i32_0 : i32, i32
  }
  func.func @transform_4(%arg0: i32) -> (i32, i32) {
    %c0_i32 = arith.constant 0 : i32
    %c0_i32_0 = arith.constant 0 : i32
    %c0_i32_1 = arith.constant 0 : i32
    return %c0_i32, %c0_i32_0 : i32, i32
  }
  func.func @transform_5(%arg0: i32) -> (i32, i32) {
    %c0_i32 = arith.constant 0 : i32
    %c0_i32_0 = arith.constant 0 : i32
    %c0_i32_1 = arith.constant 0 : i32
    return %c0_i32, %c0_i32_0 : i32, i32
  }
  func.func @transform_6(%arg0: i32) -> (i32, i32) {
    %c0_i32 = arith.constant 0 : i32
    %c0_i32_0 = arith.constant 0 : i32
    %c0_i32_1 = arith.constant 0 : i32
    return %c0_i32, %c0_i32_0 : i32, i32
  }
  func.func @transform_7(%arg0: i32) -> (i32, i32) {
    %c0_i32 = arith.constant 0 : i32
    %c0_i32_0 = arith.constant 0 : i32
    return %arg0, %c0_i32 : i32, i32
  }
}

</mosaic_0001>

<sc_bundles>
// kernel: gather_offload_async_start.1
scs
__scs_entry_jumppad:
0x0: {  	(pc) =	sbr.rel $0x88, $3  }
0x1: {  	(tag) =	ssettag $0x0;
	lr =	simm.s32 $0x1  }
0x2: {  	[smem:$0x3F98] =	sst lr;
	_ =	strace $0xD0000000  }
0x3: {  	_ = 	snop  }
0x4: {  	_ = 	snop  }
0x5: {  	_ = 	snop  }
0x6: {  	_ = 	snop  }
0x7: {  	_ = 	snop  }
__scs_overlays_trampoline_lowered:
0x8: {  	[smem:$0x3FA7] =	sst s0  }
0x9: {  	[smem:$0x3FA8] =	sst s1  }
0xa: {  	[smem:$0x3FA9] =	sst s2  }
0xb: {  	[smem:$0x3FAA] =	sst s3  }
0xc: {  	[smem:$0x3FAB] =	sst s4  }
0xd: {  	[smem:$0x3FAC] =	sst s5  }
0xe: {  	[smem:$0x3FAD] =	sst s6  }
0xf: {  	[smem:$0x3FAE] =	sst s7  }
0x10: {  	[smem:$0x3FAF] =	sst s8  }
0x11: {  	[smem:$0x3FB0] =	sst s9;
	s0 =	simm.s32 @!p0 $0x0  }
0x12: {  	s1 =	sld [smem:$0x3F96];
	s0 =	simm.s32 @p0 $0x1  }
0x13: {  	[smem:$0x3FB1] =	sst s0;
	s0 =	simm.s32 @!p1 $0x0  }
0x14: {  	s2 =	sld [smem:$0x3F95];
	s0 =	simm.s32 @p1 $0x1  }
0x15: {  	[smem:$0x3FB2] =	sst s0;
	s0 =	simm.s32 @!p2 $0x0  }
0x16: {  	s3 =	sld [smem:$0x3FDB];
	s0 =	simm.s32 @p2 $0x1  }
0x17: {  	s4 =	simm.s32 $0x1BF5;
	[smem:$0x3FB4] =	sst s0  }
0x18: {  	s0 =	sld [smem:$0x3F97];
	_ =	swait.ge [sflag:s4], $0x0  }
0x19: {  	s7 =	sld [smem:$0x3F98]  }
0x1a: {  	s8 =	sadd.s32 $0xFFFFE003, lr  }
0x1b: {  	s9 =	sadd.s32 $0xFFFFFEF7, lr;
	s5 =	simm.s32 $0xFFFFFFFF;
	p2 =	slt.u32 s8, $0xFFFFF086  }
0x1c: {  	p1 =	slt.u32 s9, $0xF7A;
	s5 =	simm.s32 @!p2 $0x0  }
0x1d: {  	s5 =	simm.s32 @p1 $0x1;
	p0 =	seq.s32 s7, s2  }
0x1e: {  	s7 =	smul.u32 @!p0 $0xF7A, s2;
	p2 =	seq.s32 @!p0 s5, $0x0  }
0x1f: {  	s9 =	smul.u32 $0xF7A, s1;
	s8 =	simm.s32 @!p0 $0x1BF5;
	p2 =	por !p2, p0  }
0x20: {  	[sflag:s8] =	ssyncset.s32 @!p0 $0xFFFFF086;
	s6 =	sadd.s32 @!p0 s3, s7;
	s7 =	simm.s32 @!p0 $0x108  }
0x21: {  	s3 =	sadd.s32 s3, s9;
	s6 =	sadd.s32 @!p0 $0x88, s6;
	s7 =	simm.s32 @p2 $0x1082  }
0x22: {  	[simem:s7], [sflag:s8] =	dma.local @!p0 [hbm:s6], $0xF7A  }
0x23: {  	s9 =	sor.u32 $0xD0000000, s2;
	s6 =	simm.s32 $0x108;
	_ =	swait.ge @!p0 [sflag:s8], $0x0  }
0x24: {  	s3 =	sadd.s32 $0x88, s3;
	s6 =	simm.s32 @!p1 $0x1082;
	[sflag:s4] =	ssyncset.s32 $0xFFFFF086  }
0x25: {  	[simem:s6], [sflag:s4] =	dma.local [hbm:s3], $0xF7A  }
0x26: {  	[smem:$0x3F98] =	sst s1;
	(tag) =	ssettag s2;
	_ =	strace s9  }
0x27: {  	s1 =	sld [smem:$0x3FA8]  }
0x28: {  	s2 =	sld [smem:$0x3FA9]  }
0x29: {  	s4 =	sld [smem:$0x3FAB]  }
0x2a: {  	p0 =	seq.s32 s5, $0x0;
	s5 =	sld [smem:$0x3FAC]  }
0x2b: {  	s6 =	sld [smem:$0x3FAD]  }
0x2c: {  	s7 =	sld [smem:$0x3FAE]  }
0x2d: {  	s3 =	simm.s32 $0x108;
	s8 =	sld [smem:$0x3FAF]  }
0x2e: {  	s3 =	simm.s32 @!p0 $0x1082;
	s9 =	sld [smem:$0x3FB0]  }
0x2f: {  	lr =	sadd.s32 s0, s3;
	s0 =	sld [smem:$0x3FA7]  }
0x30: {  	s3 =	sld [smem:$0x3FAA]  }
0x31: {  	[smem:$0x3FB3] =	sst s10  }
0x32: {  	s10 =	sld [smem:$0x3FB1];
	_ =	sdelay $0x3  }
0x33: {  	p0 =	seq.s32 s10, $0x1;
	s10 =	sld [smem:$0x3FB3];
	_ =	sdelay $0x3  }
0x34: {  	[smem:$0x3FB3] =	sst s10  }
0x35: {  	s10 =	sld [smem:$0x3FB2];
	_ =	sdelay $0x3  }
0x36: {  	p1 =	seq.s32 s10, $0x1;
	s10 =	sld [smem:$0x3FB3];
	_ =	sdelay $0x3  }
0x37: {  	[smem:$0x3FB3] =	sst s10  }
0x38: {  	s10 =	sld [smem:$0x3FB4]  }
0x39: {  	_ = 	snop;
	(pc) =	sbr.ind lr, $3  }
0x3a: {  	_ = 	snop  }
0x3b: {  	_ = 	snop  }
0x3c: {  	p2 =	seq.s32 s10, $0x1;
	s10 =	sld [smem:$0x3FB3]  }
0x3d: {  	_ =	shalt  }
0x3e: {  	_ =	shalt  }
0x3f: {  	_ =	shalt  }
0x40: {  	_ =	shalt  }
0x41: {  	_ =	shalt  }
0x42: {  	_ =	shalt  }
0x43: {  	_ =	shalt  }
0x44: {  	_ =	shalt  }
0x45: {  	_ =	shalt  }
0x46: {  	_ =	shalt  }
0x47: {  	_ =	shalt  }
0x48: {  	_ =	shalt  }
0x49: {  	_ =	shalt  }
0x4a: {  	_ =	shalt  }
0x4b: {  	_ =	shalt  }
0x4c: {  	_ =	shalt  }
0x4d: {  	_ =	shalt  }
0x4e: {  	_ =	shalt  }
0x4f: {  	_ =	shalt  }
0x50: {  	_ =	shalt  }
0x51: {  	_ =	shalt  }
0x52: {  	_ =	shalt  }
0x53: {  	_ =	shalt  }
0x54: {  	_ =	shalt  }
0x55: {  	_ =	shalt  }
0x56: {  	_ =	shalt  }
0x57: {  	_ =	shalt  }
0x58: {  	_ =	shalt  }
0x59: {  	_ =	shalt  }
0x5a: {  	_ =	shalt  }
0x5b: {  	_ =	shalt  }
0x5c: {  	_ =	shalt  }
0x5d: {  	_ =	shalt  }
0x5e: {  	_ =	shalt  }
0x5f: {  	_ =	shalt  }
0x60: {  	_ =	shalt  }
0x61: {  	_ =	shalt  }
0x62: {  	_ =	shalt  }
0x63: {  	_ =	shalt  }
0x64: {  	_ =	shalt  }
0x65: {  	_ =	shalt  }
0x66: {  	_ =	shalt  }
0x67: {  	_ =	shalt  }
0x68: {  	_ =	shalt  }
0x69: {  	_ =	shalt  }
0x6a: {  	_ =	shalt  }
0x6b: {  	_ =	shalt  }
0x6c: {  	_ =	shalt  }
0x6d: {  	_ =	shalt  }
0x6e: {  	_ =	shalt  }
0x6f: {  	_ =	shalt  }
0x70: {  	_ =	shalt  }
0x71: {  	_ =	shalt  }
0x72: {  	_ =	shalt  }
0x73: {  	_ =	shalt  }
0x74: {  	_ =	shalt  }
0x75: {  	_ =	shalt  }
0x76: {  	_ =	shalt  }
0x77: {  	_ =	shalt  }
0x78: {  	_ =	shalt  }
0x79: {  	_ =	shalt  }
0x7a: {  	_ =	shalt  }
0x7b: {  	_ =	shalt  }
0x7c: {  	_ =	shalt  }
0x7d: {  	_ =	shalt  }
0x7e: {  	_ =	shalt  }
0x7f: {  	_ =	shalt  }
0x80: {  	_ =	shalt  }
0x81: {  	_ =	shalt  }
0x82: {  	_ =	shalt  }
0x83: {  	_ =	shalt  }
0x84: {  	_ =	shalt  }
0x85: {  	_ =	shalt  }
0x86: {  	_ =	shalt  }
0x87: {  	_ =	shalt  }
.Lfunc_end0:
.L_simem_size_0:
called_computation.1_lowered:
.L_overlay_start_0:
0x88: {  	s2 =	sld [smem:$0x3FD9]  }
0x89: {  	s3 =	sld [smem:$0x3FFE];
	_ =	sdelay $0x1  }
0x8a: {  	s1 =	srdreg.scid  }
0x8b: {  	s0 =	sand.u32 $0x1, s1  }
0x8c: {  	s17 =	sshll.u32 s0, $0xA;
	s2 =	sadd.s32 s3, s2  }
0x8d: {  	s2 =	sadd.s32 s2, s17  }
0x8e: {  	[smem:$0x3FBF] =	sst s2  }
0x8f: {  	_ = 	snop  }
0x90: {  	(tm) =	ssettm $0x1  }
0x91: {  	s18 =	sld [smem:$0x3FFB];
	_ =	sdelay $0x3  }
0x92: {  	_ =	strace s18  }
0x93: {  	s2 =	sld [smem:$0x3FFC];
	_ =	sdelay $0x3  }
0x94: {  	_ =	strace s2  }
0x95: {  	s2 =	sld [smem:$0x3FFD];
	_ =	sdelay $0x3  }
0x96: {  	_ =	strace s2  }
0x97: {  	_ =	strace $0x8FFFFFFF  }
0x98: {  	s19 =	sld [smem:$0x3FDB];
	_ =	sdelay $0x1  }
0x99: {  	s20 =	simm.s32 $_scs_section_size  }
0x9a: {  	s4 =	simm.s32 $_size__tile_overlayer_lowered;
	s5 =	simm.s32 $_tile_overlayer_lowered  }
0x9b: {  	s6 =	simm.s32 $0x1BFF;
	s21 =	sshll.u32 s5, $0x1;
	s3 =	sadd.s32 s20, s19  }
0x9c: {  	s22 =	simm.s32 $0x0;
	s4 =	sshll.u32 s4, $0x1;
	s5 =	sadd.s32 s21, s3  }
0x9d: {  	[timem:s22], [sflag:s6] =	dma.local [hbm:s5], s4  }
0x9e: {  	_ =	swait.ge [sflag:s6], s4  }
0x9f: {  	s4 =	ssub.s32 $0x0, s4;
	[sflag:s6] =	ssyncset.done $0x0  }
0xa0: {  	[sflag:s6] =	ssyncadd.s32 s4;
	_ =	sdelay $0x1  }
0xa1: {  	s23 =	simm.s32 $0x1B8B  }
0xa2: {  	_ =	swait.ge [sflag:s23], $0x1  }
0xa3: {  	[sflag:s23] =	ssyncset.done $0x0  }
0xa4: {  	[sflag:s23] =	ssyncadd.s32 $0xFFFFFFFF  }
0xa5: {  	s4 =	sld [smem:$0x0]  }
0xa6: {  	s5 =	sand.u32 $0xFFFFFFFE, s1  }
0xa7: {  	p0 =	sne.s32 s1, s5  }
0xa8: {  	s5 =	sshll.u32 @p0 s5, $0xE  }
0xa9: {  	s5 =	sadd.s32 @p0 $0x11B8D, s5;
	s6 =	sshll.u32 @p0 s4, $0x11  }
0xaa: {  	s5 =	sor.u32 @p0 s6, s5  }
0xab: {  	[sflag:s5] =	ssyncadd.remote.s32 @p0 $0x1;
	_ =	sdelay $0x1  }
0xac: {  	s5 =	simm.s32 @p0 $0x1B8D  }
0xad: {  	_ =	swait.eq @p0 [sflag:s5], $0x1  }
0xae: {  	[sflag:s5] =	ssyncadd.s32 @p0 $0xFFFFFFFF  }
0xaf: {  	s6 =	sshll.u32 @!p0 s1, $0xE  }
0xb0: {  	s6 =	sor.u32 @!p0 $0x4000, s6;
	s5 =	simm.s32 @!p0 $0x1B8D  }
0xb1: {  	s4 =	sshll.u32 @!p0 s4, $0x11;
	s6 =	sadd.s32 @!p0 $0x11B8D, s6;
	_ =	swait.eq @!p0 [sflag:s5], $0x1  }
0xb2: {  	s4 =	sor.u32 @!p0 s4, s6;
	[sflag:s5] =	ssyncadd.s32 @!p0 $0xFFFFFFFF  }
0xb3: {  	s25 =	simm.s32 $0x1B8E;
	s24 =	sld [smem:$0x3FFE];
	[sflag:s4] =	ssyncadd.remote.s32 @!p0 $0x1  }
0xb4: {  	s26 =	simm.s32 $execute0_lowered;
	[smem:$0x3FD2] =	sst s25  }
0xb5: {  	s5 =	sshll.u32 s26, $0x1;
	_ =	strace $0x80000049;
	[dreg:$0x1] =	wrdreg $0xFFFFFFFF  }
0xb6: {  	s28 =	simm.s32 $_size_execute0_lowered;
	s3 =	sadd.s32 s3, s5;
	[dreg:$0x0] =	wrdreg $0x0  }
0xb7: {  	s5 =	sshll.u32 s28, $0x1;
	[dreg:$0x2] =	wrdreg s3  }
0xb8: {  	[dreg:$0x3] =	wrdreg s5  }
0xb9: {  	[dreg:$0x4] =	wrdreg $0xC0  }
0xba: {  	_ =	task [dreg:s22], $0x5FFFF  }
0xbb: {  	[dreg:$0x1] =	wrdreg $0xFFFFFFFF  }
0xbc: {  	[dreg:$0x0] =	wrdreg $0x60  }
0xbd: {  	[dreg:$0x2] =	wrdreg s24  }
0xbe: {  	[dreg:$0x3] =	wrdreg $0xA  }
0xbf: {  	_ =	task.clear_ibuf [dreg:s22], $0x4FFFF;
	_ =	strace $0x90000049  }
0xc0: {  	s29 =	simm.s32 $0xA;
	_ =	strace $0x8000004B  }
0xc1: {  	_ =	swait.ge [sflag:s29], $0x1  }
0xc2: {  	[sflag:s29] =	ssyncadd.s32 $0xFFFFFFFF  }
0xc3: {  	_ =	strace $0x9000004B  }
0xc4: {  	_ =	sfence  }
0xc5: {  	s30 =	sld [smem:$0x0];
	_ =	sdelay $0x2  }
0xc6: {  	s31 =	sshll.u32 s1, $0xD;
	s1 =	sshrl.u32 s1, $0x2  }
0xc7: {  	s4 =	sand.u32 $0x4000, s31;
	s1 =	sadd.s32 s1, s30  }
0xc8: {  	s0 =	sor.u32 s4, s0;
	s1 =	sshll.u32 s1, $0x11  }
0xc9: {  	s0 =	sor.u32 s1, s0  }
0xca: {  	s0 =	sadd.s32 $0x8F2B, s0  }
0xcb: {  	[sflag:s0] =	ssyncadd.remote.s32 $0x1  }
0xcc: {  	_ =	sfence.sel $0xFFFF  }
0xcd: {  	[dreg:$0x0] =	wrdreg $0xFFFFFFFF;
	(pc) =	sbr.abs _section_cstart, $3  }
0xce: {  	[dreg:$0x1] =	wrdreg $0xFFFFFFFF  }
0xcf: {  	_ =	task.clear_ibuf [dreg:s22], $0x2FFFF;
	_ =	strace $0x9FFFFFFF  }
0xd0: {  	(tm) =	ssettm $0x7FFFFFFF  }
0xd1: {  	_ =	shalt  }
tec
execute0_lowered:
.L_overlay_start_1:
0x0: {  	(tag) =	ssettag $0x1  }
0x1: {  	s8 =	rddreg [dreg:$0x0]  }
0x2: {  	s0 =	rddreg [dreg:$0x1];
	_ =	strace $0x8000004A;
	s1 =	stileid.u32  }
0x3: {  	s3 =	srdreg.scid;
	s4 =	simm.s32 $0x1;
	s7 =	simm.s32 $0x1  }
0x4: {  	s9 =	simm.s32 $0x1;
	s10 =	simm.s32 $0x3;
	s13 =	simm.s32 $0x0  }
0x5: {  	s12 =	simm.s32 $0x0;
	s5 =	sand.u32 $0x1, s3;
	s6 =	sshll.u32 s1, $0x1  }
0x6: {  	s2 =	sadd.s32 $0x2000, s8;
	s3 =	sadd.s32 $0xBE00, s8;
	s5 =	sor.u32 s6, s5  }
.Ltmp0:
0x7: {  	[sflag:s4] =	ssyncpa.u1 $0x0;
	p0 =	slt.u32 s5, $0x9;
	(pc) =	sbr.rel .LBB2_1-.Ltmp0, $4  }
0x8: {  	s6 =	simm.s32 $0x2;
	s7 =	simm.s32 @!p0 $0x0;
	p0 =	sne.s32 s5, $0x8  }
0x9: {  	[sflag:s6] =	ssyncpa.u1 $0x0;
	s5 =	smul.u32 $0x1F40, s5;
	s9 =	simm.s32 @!p0 $0x0  }
0xa: {  	s8 =	sadd.s32 $0x29800, s8;
	[sflag:s10] =	ssyncpa.u1 $0x0;
	s7 =	sadd.s32 s9, s7  }
0xb: {  	vm0 =	vmmov $0xffff;
	s10 =	simm.s32 $0x0;
	s11 =	smov.u32 s5;
	s9 =	sadd.s32 $0x1, s7  }
.LBB2_4:
0xc: {  	v2 =	vnsel vm1, $0x0, v2  }
0xd: {  	vm1 =	vgt.s32 v0, $0x0;
	v2 =	vmin.u32 v2, $0x4E1FF  }
0xe: {  	v0 =	vnsel vm1, $0x0, v0  }
0xf: {  	v0 =	vmin.u32 v0, $0x4E1FF  }
0x10: {  	[tilespmem:s18], [sflag:$0x1] =	stream.indirect_vreg.gather [hbm4b:s2+s10], $0x1, v1, vm0, $0x4038;
	[tilespmem:$0x7D00] =	vst v63  }
0x11: {  	(ifvalue) =	ssetifvalue $0x7FFFFFFF  }
0x12: {  	[tilespmem:s15], [sflag:$0x1] =	stream.indirect_vreg.gather [hbm4b:s2+s10], $0x1, v2, vm0, $0x4038;
	[tilespmem:$0x7D00] =	vst v63  }
0x13: {  	s29 =	sadd.s32 $0x10, s15;
	(ifvalue) =	ssetifvalue $0x7FFFFFFF  }
0x14: {  	[tilespmem:s29], [sflag:$0x1] =	stream.indirect_vreg.gather [hbm4b:s2+s10], $0x1, v0, vm0, $0x4038;
	[tilespmem:$0x7D00] =	vst v63  }
0x15: {  	_ =	swait.ge [sflag:s4], $0x1F40  }
0x16: {  	s30 =	sshrl.u32 s13, $0x3;
	[sflag:s4] =	ssyncset.done $0x0  }
0x17: {  	s31 =	sand.u32 $0x7, s13;
	s15 =	sadd.s32 s8, s30;
	[sflag:s4] =	ssyncadd.s32 $0xFFFFE0C0  }
0x18: {  	[hbm4b:s15+s31] =	stream.linear.scatter [tilespmem:s14], [sflag:$0x3], $0x1F40, $0x38;
	[tilespmem:$0x7D00] =	vst v63  }
.LBB2_5:
0x19: {  	s15 =	sadd.s32 $0x3E800, s11  }
0x1a: {  	p1 =	sgt.s32 s15, $0x4E1FF  }
0x1b: {  	s15 =	smov.u32 @p1 s5;
	p1 =	sne.s32 s12, s9  }
.Ltmp1:
0x1c: {  	p0 =	slt.u32 s12, $0x2;
	(pc) =	sbr.rel @!p1 .LBB2_6-.Ltmp1, $4  }
0x1d: {  	s14 =	simm.s32 @!p0 $0x3  }
0x1e: {  	_ =	swait.ge @!p0 [sflag:s14], $0x1F40  }
0x1f: {  	s16 =	sadd.s32 $0x1, s12;
	s13 =	smov.u32 s11;
	[sflag:s14] =	ssyncset.done @!p0 $0x0  }
0x20: {  	s12 =	smov.u32 s16;
	s11 =	smov.u32 s15;
	[sflag:s14] =	ssyncadd.s32 @!p0 $0xFFFFE0C0  }
.LBB2_1:
0x21: {  	p0 =	sge.u32 s12, s7  }
0x22: {  	s14 =	sxor.u32 @!p0 $0x1, s12  }
0x23: {  	s14 =	smul.u32 @!p0 $0x7D00, s14  }
0x24: {  	s31 =	sadd.s32 $0xFFFFFFFF, s12;
	s15 =	sshrl.u32 @!p0 s11, $0x3  }
0x25: {  	s16 =	sand.u32 @!p0 $0x7, s11;
	s15 =	sadd.s32 @!p0 s3, s15;
	s14 =	sshra.s32 @!p0 s14, $0x2  }
0x26: {  	[tilespmem:s14], [sflag:$0x2] =	stream.linear.gather @!p0 [hbm4b:s15+s16], $0x1F40, $0x38;
	[tilespmem:$0x7D00] =	vst v63  }
0x27: {  	p0 =	sge.u32 s31, s7  }
.Ltmp2:
0x28: {  	_ = 	snop;
	(pc) =	sbr.rel @p0 .LBB2_5-.Ltmp2, $1  }
0x29: {  	_ =	sdelay $0x3  }
0x2a: {  	s14 =	sand.u32 $0x1, s12  }
0x2b: {  	_ =	swait.ge [sflag:s6], $0x1F40;
	p0 =	seq.s32 s14, $0x1;
	s14 =	simm.s32 $0x1F40  }
0x2c: {  	[sflag:s6] =	ssyncset.done $0x0;
	s14 =	simm.s32 @!p0 $0x0  }
0x2d: {  	[sflag:s6] =	ssyncadd.s32 $0xFFFFE0C0;
	(ifvalue) =	ssetifvalue $0x7FFFFFFF;
	v0 =	vld.msk [tilespmem:s14+$0x0 ss:$0x1], $0xffff;
	_ =	sdelay $0x4  }
0x2e: {  	s15 =	sadd.s32 $0x10, s14;
	vm1 =	vgt.s32 v0, $0x0  }
0x2f: {  	v2 =	vld.msk [tilespmem:s15+$0x0 ss:$0x1], $0xffff;
	v1 =	vnsel vm1, $0x0, v0  }
0x30: {  	v1 =	vmin.u32 v1, $0x4E1FF;
	_ =	sdelay $0x2  }
0x31: {  	s17 =	simm.s32 $0x20;
	s14 =	sadd.s32 $0x3E80, s14;
	s16 =	sadd.s32 $0x10, s15  }
0x32: {  	s15 =	sadd.s32 $0x10, s14;
	s18 =	smov.u32 s14;
	v0 =	vld.msk [tilespmem:s16+$0x0 ss:$0x1], $0xffff;
	vm1 =	vgt.s32 v2, $0x0;
	(ifvalue) =	ssetifvalue $0x7FFFFFFF  }
.LBB2_3:
0x33: {  	[tilespmem:s18], [sflag:$0x1] =	stream.indirect_vreg.gather [hbm4b:s2+s10], $0x1, v1, vm0, $0x4038;
	[tilespmem:$0x7D00] =	vst v63  }
0x34: {  	s17 =	sadd.s32 $0x10, s17  }
0x35: {  	v2 =	vnsel vm1, $0x0, v2;
	p0 =	slt.u32 s17, $0x1F30  }
.Ltmp3:
0x36: {  	s18 =	smov.u32 s15;
	v1 =	vmin.u32 v2, $0x4E1FF;
	(pc) =	sbr.rel @p0 .LBB2_3-.Ltmp3, $3  }
0x37: {  	_ =	sdelay $0x1  }
0x38: {  	s16 =	sadd.s32 $0x10, s16  }
0x39: {  	vm1 =	vgt.s32 v0, $0x0;
	s15 =	sadd.s32 $0x10, s15;
	v2 =	vmov v0;
	(ifvalue) =	ssetifvalue $0x7FFFFFFF;
	v0 =	vld.msk [tilespmem:s16+$0x0 ss:$0x1], $0xffff  }
.Ltmp4:
0x3a: {  	_ = 	snop;
	(pc) =	sbr.rel .LBB2_4-.Ltmp4, $1  }
0x3b: {  	_ =	sdelay $0x3  }
.LBB2_6:
0x3c: {  	_ =	sfence.sel $0x180000  }
0x3d: {  	s2 =	simm.s32 $0x2;
	[bflag:$0x0] =	sbarrier.arrive $0xFFFF  }
0x3e: {  	s30 =	simm.s32 $0x3;
	[sflag:s2] =	ssyncpa.u1 $0x1  }
0x3f: {  	s31 =	simm.s32 $0x1;
	[sflag:s30] =	ssyncpa.u1 $0x1  }
0x40: {  	[sflag:s31] =	ssyncpa.u1 $0x1  }
0x41: {  	p0 =	sne.s32 s1, $0x0;
	_ =	strace $0x9000004A  }
0x42: {  	s0 =	sadd.s32 @!p0 $0x100000, s0;
	[bflag:$0x2] =	sbarrier.arrive $0xFFFF  }
0x43: {  	[sflag:s0] =	ssyncadd.tile.s32 @!p0 $0x1;
	_ =	shalt  }
.Lfunc_end2:
_tile_overlayer_lowered:
.L_overlay_start_2:
0x44: {  	(tag) =	ssettag $0x2  }
0x45: {  	s0 =	rddreg [dreg:$0x0];
	s2 =	stileid.u32  }
0x46: {  	s1 =	rddreg [dreg:$0x1];
	p0 =	sne.s32 s2, $0x0  }
0x47: {  	s3 =	rddreg [dreg:$0x2];
	[bflag:$0x3] =	sbarrier.arrive $0xFFFF;
	s2 =	simm.s32 @!p0 $0x1C01  }
0x48: {  	[timem:s3], [sflag:s2] =	dma.local @!p0 [hbm:s0], s1  }
0x49: {  	s0 =	simm.s32 @!p0 $0x1  }
0x4a: {  	_ =	swait.ge @!p0 [sflag:s0], s1  }
0x4b: {  	s1 =	ssub.s32 @!p0 $0x0, s1;
	[sflag:s0] =	ssyncset.done @!p0 $0x0  }
0x4c: {  	[sflag:s0] =	ssyncadd.s32 @!p0 s1  }
0x4d: {  	[bflag:$0x3] =	sbarrier.arrive $0xFFFF  }
0x4e: {  	_ =	shalt  }

// kernel: gather_offload_async_start.2
scs
__scs_entry_jumppad:
0x0: {  	(pc) =	sbr.rel $0x88, $3  }
0x1: {  	(tag) =	ssettag $0x0;
	lr =	simm.s32 $0x1  }
0x2: {  	[smem:$0x3F98] =	sst lr;
	_ =	strace $0xD0000000  }
0x3: {  	_ = 	snop  }
0x4: {  	_ = 	snop  }
0x5: {  	_ = 	snop  }
0x6: {  	_ = 	snop  }
0x7: {  	_ = 	snop  }
__scs_overlays_trampoline_lowered:
0x8: {  	[smem:$0x3FA7] =	sst s0  }
0x9: {  	[smem:$0x3FA8] =	sst s1  }
0xa: {  	[smem:$0x3FA9] =	sst s2  }
0xb: {  	[smem:$0x3FAA] =	sst s3  }
0xc: {  	[smem:$0x3FAB] =	sst s4  }
0xd: {  	[smem:$0x3FAC] =	sst s5  }
0xe: {  	[smem:$0x3FAD] =	sst s6  }
0xf: {  	[smem:$0x3FAE] =	sst s7  }
0x10: {  	[smem:$0x3FAF] =	sst s8  }
0x11: {  	[smem:$0x3FB0] =	sst s9;
	s0 =	simm.s32 @!p0 $0x0  }
0x12: {  	s1 =	sld [smem:$0x3F96];
	s0 =	simm.s32 @p0 $0x1  }
0x13: {  	[smem:$0x3FB1] =	sst s0;
	s0 =	simm.s32 @!p1 $0x0  }
0x14: {  	s2 =	sld [smem:$0x3F95];
	s0 =	simm.s32 @p1 $0x1  }
0x15: {  	[smem:$0x3FB2] =	sst s0;
	s0 =	simm.s32 @!p2 $0x0  }
0x16: {  	s3 =	sld [smem:$0x3FDB];
	s0 =	simm.s32 @p2 $0x1  }
0x17: {  	s4 =	simm.s32 $0x1BF5;
	[smem:$0x3FB4] =	sst s0  }
0x18: {  	s0 =	sld [smem:$0x3F97];
	_ =	swait.ge [sflag:s4], $0x0  }
0x19: {  	s7 =	sld [smem:$0x3F98]  }
0x1a: {  	s8 =	sadd.s32 $0xFFFFE003, lr  }
0x1b: {  	s9 =	sadd.s32 $0xFFFFFEF7, lr;
	s5 =	simm.s32 $0xFFFFFFFF;
	p2 =	slt.u32 s8, $0xFFFFF086  }
0x1c: {  	p1 =	slt.u32 s9, $0xF7A;
	s5 =	simm.s32 @!p2 $0x0  }
0x1d: {  	s5 =	simm.s32 @p1 $0x1;
	p0 =	seq.s32 s7, s2  }
0x1e: {  	s7 =	smul.u32 @!p0 $0xF7A, s2;
	p2 =	seq.s32 @!p0 s5, $0x0  }
0x1f: {  	s9 =	smul.u32 $0xF7A, s1;
	s8 =	simm.s32 @!p0 $0x1BF5;
	p2 =	por !p2, p0  }
0x20: {  	[sflag:s8] =	ssyncset.s32 @!p0 $0xFFFFF086;
	s6 =	sadd.s32 @!p0 s3, s7;
	s7 =	simm.s32 @!p0 $0x108  }
0x21: {  	s3 =	sadd.s32 s3, s9;
	s6 =	sadd.s32 @!p0 $0x88, s6;
	s7 =	simm.s32 @p2 $0x1082  }
0x22: {  	[simem:s7], [sflag:s8] =	dma.local @!p0 [hbm:s6], $0xF7A  }
0x23: {  	s9 =	sor.u32 $0xD0000000, s2;
	s6 =	simm.s32 $0x108;
	_ =	swait.ge @!p0 [sflag:s8], $0x0  }
0x24: {  	s3 =	sadd.s32 $0x88, s3;
	s6 =	simm.s32 @!p1 $0x1082;
	[sflag:s4] =	ssyncset.s32 $0xFFFFF086  }
0x25: {  	[simem:s6], [sflag:s4] =	dma.local [hbm:s3], $0xF7A  }
0x26: {  	[smem:$0x3F98] =	sst s1;
	(tag) =	ssettag s2;
	_ =	strace s9  }
0x27: {  	s1 =	sld [smem:$0x3FA8]  }
0x28: {  	s2 =	sld [smem:$0x3FA9]  }
0x29: {  	s4 =	sld [smem:$0x3FAB]  }
0x2a: {  	p0 =	seq.s32 s5, $0x0;
	s5 =	sld [smem:$0x3FAC]  }
0x2b: {  	s6 =	sld [smem:$0x3FAD]  }
0x2c: {  	s7 =	sld [smem:$0x3FAE]  }
0x2d: {  	s3 =	simm.s32 $0x108;
	s8 =	sld [smem:$0x3FAF]  }
0x2e: {  	s3 =	simm.s32 @!p0 $0x1082;
	s9 =	sld [smem:$0x3FB0]  }
0x2f: {  	lr =	sadd.s32 s0, s3;
	s0 =	sld [smem:$0x3FA7]  }
0x30: {  	s3 =	sld [smem:$0x3FAA]  }
0x31: {  	[smem:$0x3FB3] =	sst s10  }
0x32: {  	s10 =	sld [smem:$0x3FB1];
	_ =	sdelay $0x3  }
0x33: {  	p0 =	seq.s32 s10, $0x1;
	s10 =	sld [smem:$0x3FB3];
	_ =	sdelay $0x3  }
0x34: {  	[smem:$0x3FB3] =	sst s10  }
0x35: {  	s10 =	sld [smem:$0x3FB2];
	_ =	sdelay $0x3  }
0x36: {  	p1 =	seq.s32 s10, $0x1;
	s10 =	sld [smem:$0x3FB3];
	_ =	sdelay $0x3  }
0x37: {  	[smem:$0x3FB3] =	sst s10  }
0x38: {  	s10 =	sld [smem:$0x3FB4]  }
0x39: {  	_ = 	snop;
	(pc) =	sbr.ind lr, $3  }
0x3a: {  	_ = 	snop  }
0x3b: {  	_ = 	snop  }
0x3c: {  	p2 =	seq.s32 s10, $0x1;
	s10 =	sld [smem:$0x3FB3]  }
0x3d: {  	_ =	shalt  }
0x3e: {  	_ =	shalt  }
0x3f: {  	_ =	shalt  }
0x40: {  	_ =	shalt  }
0x41: {  	_ =	shalt  }
0x42: {  	_ =	shalt  }
0x43: {  	_ =	shalt  }
0x44: {  	_ =	shalt  }
0x45: {  	_ =	shalt  }
0x46: {  	_ =	shalt  }
0x47: {  	_ =	shalt  }
0x48: {  	_ =	shalt  }
0x49: {  	_ =	shalt  }
0x4a: {  	_ =	shalt  }
0x4b: {  	_ =	shalt  }
0x4c: {  	_ =	shalt  }
0x4d: {  	_ =	shalt  }
0x4e: {  	_ =	shalt  }
0x4f: {  	_ =	shalt  }
0x50: {  	_ =	shalt  }
0x51: {  	_ =	shalt  }
0x52: {  	_ =	shalt  }
0x53: {  	_ =	shalt  }
0x54: {  	_ =	shalt  }
0x55: {  	_ =	shalt  }
0x56: {  	_ =	shalt  }
0x57: {  	_ =	shalt  }
0x58: {  	_ =	shalt  }
0x59: {  	_ =	shalt  }
0x5a: {  	_ =	shalt  }
0x5b: {  	_ =	shalt  }
0x5c: {  	_ =	shalt  }
0x5d: {  	_ =	shalt  }
0x5e: {  	_ =	shalt  }
0x5f: {  	_ =	shalt  }
0x60: {  	_ =	shalt  }
0x61: {  	_ =	shalt  }
0x62: {  	_ =	shalt  }
0x63: {  	_ =	shalt  }
0x64: {  	_ =	shalt  }
0x65: {  	_ =	shalt  }
0x66: {  	_ =	shalt  }
0x67: {  	_ =	shalt  }
0x68: {  	_ =	shalt  }
0x69: {  	_ =	shalt  }
0x6a: {  	_ =	shalt  }
0x6b: {  	_ =	shalt  }
0x6c: {  	_ =	shalt  }
0x6d: {  	_ =	shalt  }
0x6e: {  	_ =	shalt  }
0x6f: {  	_ =	shalt  }
0x70: {  	_ =	shalt  }
0x71: {  	_ =	shalt  }
0x72: {  	_ =	shalt  }
0x73: {  	_ =	shalt  }
0x74: {  	_ =	shalt  }
0x75: {  	_ =	shalt  }
0x76: {  	_ =	shalt  }
0x77: {  	_ =	shalt  }
0x78: {  	_ =	shalt  }
0x79: {  	_ =	shalt  }
0x7a: {  	_ =	shalt  }
0x7b: {  	_ =	shalt  }
0x7c: {  	_ =	shalt  }
0x7d: {  	_ =	shalt  }
0x7e: {  	_ =	shalt  }
0x7f: {  	_ =	shalt  }
0x80: {  	_ =	shalt  }
0x81: {  	_ =	shalt  }
0x82: {  	_ =	shalt  }
0x83: {  	_ =	shalt  }
0x84: {  	_ =	shalt  }
0x85: {  	_ =	shalt  }
0x86: {  	_ =	shalt  }
0x87: {  	_ =	shalt  }
.Lfunc_end0:
.L_simem_size_0:
called_computation.2_lowered:
.L_overlay_start_0:
0x88: {  	s2 =	sld [smem:$0x3FD9]  }
0x89: {  	s3 =	sld [smem:$0x3FFE];
	_ =	sdelay $0x1  }
0x8a: {  	s1 =	srdreg.scid  }
0x8b: {  	s0 =	sand.u32 $0x1, s1  }
0x8c: {  	s17 =	sshll.u32 s0, $0xA;
	s2 =	sadd.s32 s3, s2  }
0x8d: {  	s2 =	sadd.s32 s2, s17  }
0x8e: {  	[smem:$0x3FBF] =	sst s2  }
0x8f: {  	_ = 	snop  }
0x90: {  	(tm) =	ssettm $0x1  }
0x91: {  	s18 =	sld [smem:$0x3FFB];
	_ =	sdelay $0x3  }
0x92: {  	_ =	strace s18  }
0x93: {  	s2 =	sld [smem:$0x3FFC];
	_ =	sdelay $0x3  }
0x94: {  	_ =	strace s2  }
0x95: {  	s2 =	sld [smem:$0x3FFD];
	_ =	sdelay $0x3  }
0x96: {  	_ =	strace s2  }
0x97: {  	_ =	strace $0x8FFFFFFF  }
0x98: {  	s19 =	sld [smem:$0x3FDB];
	_ =	sdelay $0x1  }
0x99: {  	s20 =	simm.s32 $_scs_section_size  }
0x9a: {  	s4 =	simm.s32 $_size__tile_overlayer_lowered;
	s5 =	simm.s32 $_tile_overlayer_lowered  }
0x9b: {  	s6 =	simm.s32 $0x1BFF;
	s21 =	sshll.u32 s5, $0x1;
	s3 =	sadd.s32 s20, s19  }
0x9c: {  	s22 =	simm.s32 $0x0;
	s4 =	sshll.u32 s4, $0x1;
	s5 =	sadd.s32 s21, s3  }
0x9d: {  	[timem:s22], [sflag:s6] =	dma.local [hbm:s5], s4  }
0x9e: {  	_ =	swait.ge [sflag:s6], s4  }
0x9f: {  	s4 =	ssub.s32 $0x0, s4;
	[sflag:s6] =	ssyncset.done $0x0  }
0xa0: {  	[sflag:s6] =	ssyncadd.s32 s4;
	_ =	sdelay $0x1  }
0xa1: {  	s23 =	simm.s32 $0x1B8B  }
0xa2: {  	_ =	swait.ge [sflag:s23], $0x1  }
0xa3: {  	[sflag:s23] =	ssyncset.done $0x0  }
0xa4: {  	[sflag:s23] =	ssyncadd.s32 $0xFFFFFFFF  }
0xa5: {  	s4 =	sld [smem:$0x0]  }
0xa6: {  	s5 =	sand.u32 $0xFFFFFFFE, s1  }
0xa7: {  	p0 =	sne.s32 s1, s5  }
0xa8: {  	s5 =	sshll.u32 @p0 s5, $0xE  }
0xa9: {  	s5 =	sadd.s32 @p0 $0x11B8D, s5;
	s6 =	sshll.u32 @p0 s4, $0x11  }
0xaa: {  	s5 =	sor.u32 @p0 s6, s5  }
0xab: {  	[sflag:s5] =	ssyncadd.remote.s32 @p0 $0x1;
	_ =	sdelay $0x1  }
0xac: {  	s5 =	simm.s32 @p0 $0x1B8D  }
0xad: {  	_ =	swait.eq @p0 [sflag:s5], $0x1  }
0xae: {  	[sflag:s5] =	ssyncadd.s32 @p0 $0xFFFFFFFF  }
0xaf: {  	s6 =	sshll.u32 @!p0 s1, $0xE  }
0xb0: {  	s6 =	sor.u32 @!p0 $0x4000, s6;
	s5 =	simm.s32 @!p0 $0x1B8D  }
0xb1: {  	s4 =	sshll.u32 @!p0 s4, $0x11;
	s6 =	sadd.s32 @!p0 $0x11B8D, s6;
	_ =	swait.eq @!p0 [sflag:s5], $0x1  }
0xb2: {  	s4 =	sor.u32 @!p0 s4, s6;
	[sflag:s5] =	ssyncadd.s32 @!p0 $0xFFFFFFFF  }
0xb3: {  	s25 =	simm.s32 $0x1B8E;
	s24 =	sld [smem:$0x3FFE];
	[sflag:s4] =	ssyncadd.remote.s32 @!p0 $0x1  }
0xb4: {  	s26 =	simm.s32 $execute0_lowered;
	[smem:$0x3FD2] =	sst s25  }
0xb5: {  	s5 =	sshll.u32 s26, $0x1;
	_ =	strace $0x8000004F;
	[dreg:$0x1] =	wrdreg $0xFFFFFFFF  }
0xb6: {  	s28 =	simm.s32 $_size_execute0_lowered;
	s3 =	sadd.s32 s3, s5;
	[dreg:$0x0] =	wrdreg $0x0  }
0xb7: {  	s5 =	sshll.u32 s28, $0x1;
	[dreg:$0x2] =	wrdreg s3  }
0xb8: {  	[dreg:$0x3] =	wrdreg s5  }
0xb9: {  	[dreg:$0x4] =	wrdreg $0xC0  }
0xba: {  	_ =	task [dreg:s22], $0x5FFFF  }
0xbb: {  	[dreg:$0x1] =	wrdreg $0xFFFFFFFF  }
0xbc: {  	[dreg:$0x0] =	wrdreg $0x60  }
0xbd: {  	[dreg:$0x2] =	wrdreg s24  }
0xbe: {  	[dreg:$0x3] =	wrdreg $0xB  }
0xbf: {  	_ =	task.clear_ibuf [dreg:s22], $0x4FFFF;
	_ =	strace $0x9000004F  }
0xc0: {  	s29 =	simm.s32 $0xB;
	_ =	strace $0x80000051  }
0xc1: {  	_ =	swait.ge [sflag:s29], $0x1  }
0xc2: {  	[sflag:s29] =	ssyncadd.s32 $0xFFFFFFFF  }
0xc3: {  	_ =	strace $0x90000051  }
0xc4: {  	_ =	sfence  }
0xc5: {  	s30 =	sld [smem:$0x0];
	_ =	sdelay $0x2  }
0xc6: {  	s31 =	sshll.u32 s1, $0xD;
	s1 =	sshrl.u32 s1, $0x2  }
0xc7: {  	s4 =	sand.u32 $0x4000, s31;
	s1 =	sadd.s32 s1, s30  }
0xc8: {  	s0 =	sor.u32 s4, s0;
	s1 =	sshll.u32 s1, $0x11  }
0xc9: {  	s0 =	sor.u32 s1, s0  }
0xca: {  	s0 =	sadd.s32 $0x8F2B, s0  }
0xcb: {  	[sflag:s0] =	ssyncadd.remote.s32 $0x1  }
0xcc: {  	_ =	sfence.sel $0xFFFF  }
0xcd: {  	[dreg:$0x0] =	wrdreg $0xFFFFFFFF;
	(pc) =	sbr.abs _section_cstart, $3  }
0xce: {  	[dreg:$0x1] =	wrdreg $0xFFFFFFFF  }
0xcf: {  	_ =	task.clear_ibuf [dreg:s22], $0x2FFFF;
	_ =	strace $0x9FFFFFFF  }
0xd0: {  	(tm) =	ssettm $0x7FFFFFFF  }
0xd1: {  	_ =	shalt  }
tec
execute0_lowered:
.L_overlay_start_1:
0x0: {  	(tag) =	ssettag $0x1  }
0x1: {  	s8 =	rddreg [dreg:$0x0]  }
0x2: {  	s0 =	rddreg [dreg:$0x1];
	_ =	strace $0x80000050;
	s1 =	stileid.u32  }
0x3: {  	s3 =	srdreg.scid;
	s4 =	simm.s32 $0x1;
	s7 =	simm.s32 $0x1  }
0x4: {  	s9 =	simm.s32 $0x1;
	s10 =	simm.s32 $0x3;
	s13 =	simm.s32 $0x0  }
0x5: {  	s12 =	simm.s32 $0x0;
	s5 =	sand.u32 $0x1, s3;
	s6 =	sshll.u32 s1, $0x1  }
0x6: {  	s2 =	sadd.s32 $0x2000, s8;
	s3 =	sadd.s32 $0x15C00, s8;
	s5 =	sor.u32 s6, s5  }
.Ltmp0:
0x7: {  	[sflag:s4] =	ssyncpa.u1 $0x0;
	p0 =	slt.u32 s5, $0x9;
	(pc) =	sbr.rel .LBB2_1-.Ltmp0, $4  }
0x8: {  	s6 =	simm.s32 $0x2;
	s7 =	simm.s32 @!p0 $0x0;
	p0 =	sne.s32 s5, $0x8  }
0x9: {  	[sflag:s6] =	ssyncpa.u1 $0x0;
	s5 =	smul.u32 $0x1F40, s5;
	s9 =	simm.s32 @!p0 $0x0  }
0xa: {  	s8 =	sadd.s32 $0x51000, s8;
	[sflag:s10] =	ssyncpa.u1 $0x0;
	s7 =	sadd.s32 s9, s7  }
0xb: {  	vm0 =	vmmov $0xffff;
	s10 =	simm.s32 $0x0;
	s11 =	smov.u32 s5;
	s9 =	sadd.s32 $0x1, s7  }
.LBB2_4:
0xc: {  	v2 =	vnsel vm1, $0x0, v2  }
0xd: {  	vm1 =	vgt.s32 v0, $0x0;
	v2 =	vmin.u32 v2, $0x4E1FF  }
0xe: {  	v0 =	vnsel vm1, $0x0, v0  }
0xf: {  	v0 =	vmin.u32 v0, $0x4E1FF  }
0x10: {  	[tilespmem:s18], [sflag:$0x1] =	stream.indirect_vreg.gather [hbm4b:s2+s10], $0x1, v1, vm0, $0x4038;
	[tilespmem:$0x7D00] =	vst v63  }
0x11: {  	(ifvalue) =	ssetifvalue $0x7FFFFFFF  }
0x12: {  	[tilespmem:s15], [sflag:$0x1] =	stream.indirect_vreg.gather [hbm4b:s2+s10], $0x1, v2, vm0, $0x4038;
	[tilespmem:$0x7D00] =	vst v63  }
0x13: {  	s29 =	sadd.s32 $0x10, s15;
	(ifvalue) =	ssetifvalue $0x7FFFFFFF  }
0x14: {  	[tilespmem:s29], [sflag:$0x1] =	stream.indirect_vreg.gather [hbm4b:s2+s10], $0x1, v0, vm0, $0x4038;
	[tilespmem:$0x7D00] =	vst v63  }
0x15: {  	_ =	swait.ge [sflag:s4], $0x1F40  }
0x16: {  	s30 =	sshrl.u32 s13, $0x3;
	[sflag:s4] =	ssyncset.done $0x0  }
0x17: {  	s31 =	sand.u32 $0x7, s13;
	s15 =	sadd.s32 s8, s30;
	[sflag:s4] =	ssyncadd.s32 $0xFFFFE0C0  }
0x18: {  	[hbm4b:s15+s31] =	stream.linear.scatter [tilespmem:s14], [sflag:$0x3], $0x1F40, $0x38;
	[tilespmem:$0x7D00] =	vst v63  }
.LBB2_5:
0x19: {  	s15 =	sadd.s32 $0x3E800, s11  }
0x1a: {  	p1 =	sgt.s32 s15, $0x4E1FF  }
0x1b: {  	s15 =	smov.u32 @p1 s5;
	p1 =	sne.s32 s12, s9  }
.Ltmp1:
0x1c: {  	p0 =	slt.u32 s12, $0x2;
	(pc) =	sbr.rel @!p1 .LBB2_6-.Ltmp1, $4  }
0x1d: {  	s14 =	simm.s32 @!p0 $0x3  }
0x1e: {  	_ =	swait.ge @!p0 [sflag:s14], $0x1F40  }
0x1f: {  	s16 =	sadd.s32 $0x1, s12;
	s13 =	smov.u32 s11;
	[sflag:s14] =	ssyncset.done @!p0 $0x0  }
0x20: {  	s12 =	smov.u32 s16;
	s11 =	smov.u32 s15;
	[sflag:s14] =	ssyncadd.s32 @!p0 $0xFFFFE0C0  }
.LBB2_1:
0x21: {  	p0 =	sge.u32 s12, s7  }
0x22: {  	s14 =	sxor.u32 @!p0 $0x1, s12  }
0x23: {  	s14 =	smul.u32 @!p0 $0x7D00, s14  }
0x24: {  	s31 =	sadd.s32 $0xFFFFFFFF, s12;
	s15 =	sshrl.u32 @!p0 s11, $0x3  }
0x25: {  	s16 =	sand.u32 @!p0 $0x7, s11;
	s15 =	sadd.s32 @!p0 s3, s15;
	s14 =	sshra.s32 @!p0 s14, $0x2  }
0x26: {  	[tilespmem:s14], [sflag:$0x2] =	stream.linear.gather @!p0 [hbm4b:s15+s16], $0x1F40, $0x38;
	[tilespmem:$0x7D00] =	vst v63  }
0x27: {  	p0 =	sge.u32 s31, s7  }
.Ltmp2:
0x28: {  	_ = 	snop;
	(pc) =	sbr.rel @p0 .LBB2_5-.Ltmp2, $1  }
0x29: {  	_ =	sdelay $0x3  }
0x2a: {  	s14 =	sand.u32 $0x1, s12  }
0x2b: {  	_ =	swait.ge [sflag:s6], $0x1F40;
	p0 =	seq.s32 s14, $0x1;
	s14 =	simm.s32 $0x1F40  }
0x2c: {  	[sflag:s6] =	ssyncset.done $0x0;
	s14 =	simm.s32 @!p0 $0x0  }
0x2d: {  	[sflag:s6] =	ssyncadd.s32 $0xFFFFE0C0;
	(ifvalue) =	ssetifvalue $0x7FFFFFFF;
	v0 =	vld.msk [tilespmem:s14+$0x0 ss:$0x1], $0xffff;
	_ =	sdelay $0x4  }
0x2e: {  	s15 =	sadd.s32 $0x10, s14;
	vm1 =	vgt.s32 v0, $0x0  }
0x2f: {  	v2 =	vld.msk [tilespmem:s15+$0x0 ss:$0x1], $0xffff;
	v1 =	vnsel vm1, $0x0, v0  }
0x30: {  	v1 =	vmin.u32 v1, $0x4E1FF;
	_ =	sdelay $0x2  }
0x31: {  	s17 =	simm.s32 $0x20;
	s14 =	sadd.s32 $0x3E80, s14;
	s16 =	sadd.s32 $0x10, s15  }
0x32: {  	s15 =	sadd.s32 $0x10, s14;
	s18 =	smov.u32 s14;
	v0 =	vld.msk [tilespmem:s16+$0x0 ss:$0x1], $0xffff;
	vm1 =	vgt.s32 v2, $0x0;
	(ifvalue) =	ssetifvalue $0x7FFFFFFF  }
.LBB2_3:
0x33: {  	[tilespmem:s18], [sflag:$0x1] =	stream.indirect_vreg.gather [hbm4b:s2+s10], $0x1, v1, vm0, $0x4038;
	[tilespmem:$0x7D00] =	vst v63  }
0x34: {  	s17 =	sadd.s32 $0x10, s17  }
0x35: {  	v2 =	vnsel vm1, $0x0, v2;
	p0 =	slt.u32 s17, $0x1F30  }
.Ltmp3:
0x36: {  	s18 =	smov.u32 s15;
	v1 =	vmin.u32 v2, $0x4E1FF;
	(pc) =	sbr.rel @p0 .LBB2_3-.Ltmp3, $3  }
0x37: {  	_ =	sdelay $0x1  }
0x38: {  	s16 =	sadd.s32 $0x10, s16  }
0x39: {  	vm1 =	vgt.s32 v0, $0x0;
	s15 =	sadd.s32 $0x10, s15;
	v2 =	vmov v0;
	(ifvalue) =	ssetifvalue $0x7FFFFFFF;
	v0 =	vld.msk [tilespmem:s16+$0x0 ss:$0x1], $0xffff  }
.Ltmp4:
0x3a: {  	_ = 	snop;
	(pc) =	sbr.rel .LBB2_4-.Ltmp4, $1  }
0x3b: {  	_ =	sdelay $0x3  }
.LBB2_6:
0x3c: {  	_ =	sfence.sel $0x180000  }
0x3d: {  	s2 =	simm.s32 $0x2;
	[bflag:$0x0] =	sbarrier.arrive $0xFFFF  }
0x3e: {  	s30 =	simm.s32 $0x3;
	[sflag:s2] =	ssyncpa.u1 $0x1  }
0x3f: {  	s31 =	simm.s32 $0x1;
	[sflag:s30] =	ssyncpa.u1 $0x1  }
0x40: {  	[sflag:s31] =	ssyncpa.u1 $0x1  }
0x41: {  	p0 =	sne.s32 s1, $0x0;
	_ =	strace $0x90000050  }
0x42: {  	s0 =	sadd.s32 @!p0 $0x100000, s0;
	[bflag:$0x2] =	sbarrier.arrive $0xFFFF  }
0x43: {  	[sflag:s0] =	ssyncadd.tile.s32 @!p0 $0x1;
	_ =	shalt  }
.Lfunc_end2:
_tile_overlayer_lowered:
.L_overlay_start_2:
0x44: {  	(tag) =	ssettag $0x2  }
0x45: {  	s0 =	rddreg [dreg:$0x0];
	s2 =	stileid.u32  }
0x46: {  	s1 =	rddreg [dreg:$0x1];
	p0 =	sne.s32 s2, $0x0  }
0x47: {  	s3 =	rddreg [dreg:$0x2];
	[bflag:$0x3] =	sbarrier.arrive $0xFFFF;
	s2 =	simm.s32 @!p0 $0x1C01  }
0x48: {  	[timem:s3], [sflag:s2] =	dma.local @!p0 [hbm:s0], s1  }
0x49: {  	s0 =	simm.s32 @!p0 $0x1  }
0x4a: {  	_ =	swait.ge @!p0 [sflag:s0], s1  }
0x4b: {  	s1 =	ssub.s32 @!p0 $0x0, s1;
	[sflag:s0] =	ssyncset.done @!p0 $0x0  }
0x4c: {  	[sflag:s0] =	ssyncadd.s32 @!p0 s1  }
0x4d: {  	[bflag:$0x3] =	sbarrier.arrive $0xFFFF  }
0x4e: {  	_ =	shalt  }

// kernel: gather_offload_async_start.3
scs
__scs_entry_jumppad:
0x0: {  	(pc) =	sbr.rel $0x88, $3  }
0x1: {  	(tag) =	ssettag $0x0;
	lr =	simm.s32 $0x1  }
0x2: {  	[smem:$0x3F98] =	sst lr;
	_ =	strace $0xD0000000  }
0x3: {  	_ = 	snop  }
0x4: {  	_ = 	snop  }
0x5: {  	_ = 	snop  }
0x6: {  	_ = 	snop  }
0x7: {  	_ = 	snop  }
__scs_overlays_trampoline_lowered:
0x8: {  	[smem:$0x3FA7] =	sst s0  }
0x9: {  	[smem:$0x3FA8] =	sst s1  }
0xa: {  	[smem:$0x3FA9] =	sst s2  }
0xb: {  	[smem:$0x3FAA] =	sst s3  }
0xc: {  	[smem:$0x3FAB] =	sst s4  }
0xd: {  	[smem:$0x3FAC] =	sst s5  }
0xe: {  	[smem:$0x3FAD] =	sst s6  }
0xf: {  	[smem:$0x3FAE] =	sst s7  }
0x10: {  	[smem:$0x3FAF] =	sst s8  }
0x11: {  	[smem:$0x3FB0] =	sst s9;
	s0 =	simm.s32 @!p0 $0x0  }
0x12: {  	s1 =	sld [smem:$0x3F96];
	s0 =	simm.s32 @p0 $0x1  }
0x13: {  	[smem:$0x3FB1] =	sst s0;
	s0 =	simm.s32 @!p1 $0x0  }
0x14: {  	s2 =	sld [smem:$0x3F95];
	s0 =	simm.s32 @p1 $0x1  }
0x15: {  	[smem:$0x3FB2] =	sst s0;
	s0 =	simm.s32 @!p2 $0x0  }
0x16: {  	s3 =	sld [smem:$0x3FDB];
	s0 =	simm.s32 @p2 $0x1  }
0x17: {  	s4 =	simm.s32 $0x1BF5;
	[smem:$0x3FB4] =	sst s0  }
0x18: {  	s0 =	sld [smem:$0x3F97];
	_ =	swait.ge [sflag:s4], $0x0  }
0x19: {  	s7 =	sld [smem:$0x3F98]  }
0x1a: {  	s8 =	sadd.s32 $0xFFFFE003, lr  }
0x1b: {  	s9 =	sadd.s32 $0xFFFFFEF7, lr;
	s5 =	simm.s32 $0xFFFFFFFF;
	p2 =	slt.u32 s8, $0xFFFFF086  }
0x1c: {  	p1 =	slt.u32 s9, $0xF7A;
	s5 =	simm.s32 @!p2 $0x0  }
0x1d: {  	s5 =	simm.s32 @p1 $0x1;
	p0 =	seq.s32 s7, s2  }
0x1e: {  	s7 =	smul.u32 @!p0 $0xF7A, s2;
	p2 =	seq.s32 @!p0 s5, $0x0  }
0x1f: {  	s9 =	smul.u32 $0xF7A, s1;
	s8 =	simm.s32 @!p0 $0x1BF5;
	p2 =	por !p2, p0  }
0x20: {  	[sflag:s8] =	ssyncset.s32 @!p0 $0xFFFFF086;
	s6 =	sadd.s32 @!p0 s3, s7;
	s7 =	simm.s32 @!p0 $0x108  }
0x21: {  	s3 =	sadd.s32 s3, s9;
	s6 =	sadd.s32 @!p0 $0x88, s6;
	s7 =	simm.s32 @p2 $0x1082  }
0x22: {  	[simem:s7], [sflag:s8] =	dma.local @!p0 [hbm:s6], $0xF7A  }
0x23: {  	s9 =	sor.u32 $0xD0000000, s2;
	s6 =	simm.s32 $0x108;
	_ =	swait.ge @!p0 [sflag:s8], $0x0  }
0x24: {  	s3 =	sadd.s32 $0x88, s3;
	s6 =	simm.s32 @!p1 $0x1082;
	[sflag:s4] =	ssyncset.s32 $0xFFFFF086  }
0x25: {  	[simem:s6], [sflag:s4] =	dma.local [hbm:s3], $0xF7A  }
0x26: {  	[smem:$0x3F98] =	sst s1;
	(tag) =	ssettag s2;
	_ =	strace s9  }
0x27: {  	s1 =	sld [smem:$0x3FA8]  }
0x28: {  	s2 =	sld [smem:$0x3FA9]  }
0x29: {  	s4 =	sld [smem:$0x3FAB]  }
0x2a: {  	p0 =	seq.s32 s5, $0x0;
	s5 =	sld [smem:$0x3FAC]  }
0x2b: {  	s6 =	sld [smem:$0x3FAD]  }
0x2c: {  	s7 =	sld [smem:$0x3FAE]  }
0x2d: {  	s3 =	simm.s32 $0x108;
	s8 =	sld [smem:$0x3FAF]  }
0x2e: {  	s3 =	simm.s32 @!p0 $0x1082;
	s9 =	sld [smem:$0x3FB0]  }
0x2f: {  	lr =	sadd.s32 s0, s3;
	s0 =	sld [smem:$0x3FA7]  }
0x30: {  	s3 =	sld [smem:$0x3FAA]  }
0x31: {  	[smem:$0x3FB3] =	sst s10  }
0x32: {  	s10 =	sld [smem:$0x3FB1];
	_ =	sdelay $0x3  }
0x33: {  	p0 =	seq.s32 s10, $0x1;
	s10 =	sld [smem:$0x3FB3];
	_ =	sdelay $0x3  }
0x34: {  	[smem:$0x3FB3] =	sst s10  }
0x35: {  	s10 =	sld [smem:$0x3FB2];
	_ =	sdelay $0x3  }
0x36: {  	p1 =	seq.s32 s10, $0x1;
	s10 =	sld [smem:$0x3FB3];
	_ =	sdelay $0x3  }
0x37: {  	[smem:$0x3FB3] =	sst s10  }
0x38: {  	s10 =	sld [smem:$0x3FB4]  }
0x39: {  	_ = 	snop;
	(pc) =	sbr.ind lr, $3  }
0x3a: {  	_ = 	snop  }
0x3b: {  	_ = 	snop  }
0x3c: {  	p2 =	seq.s32 s10, $0x1;
	s10 =	sld [smem:$0x3FB3]  }
0x3d: {  	_ =	shalt  }
0x3e: {  	_ =	shalt  }
0x3f: {  	_ =	shalt  }
0x40: {  	_ =	shalt  }
0x41: {  	_ =	shalt  }
0x42: {  	_ =	shalt  }
0x43: {  	_ =	shalt  }
0x44: {  	_ =	shalt  }
0x45: {  	_ =	shalt  }
0x46: {  	_ =	shalt  }
0x47: {  	_ =	shalt  }
0x48: {  	_ =	shalt  }
0x49: {  	_ =	shalt  }
0x4a: {  	_ =	shalt  }
0x4b: {  	_ =	shalt  }
0x4c: {  	_ =	shalt  }
0x4d: {  	_ =	shalt  }
0x4e: {  	_ =	shalt  }
0x4f: {  	_ =	shalt  }
0x50: {  	_ =	shalt  }
0x51: {  	_ =	shalt  }
0x52: {  	_ =	shalt  }
0x53: {  	_ =	shalt  }
0x54: {  	_ =	shalt  }
0x55: {  	_ =	shalt  }
0x56: {  	_ =	shalt  }
0x57: {  	_ =	shalt  }
0x58: {  	_ =	shalt  }
0x59: {  	_ =	shalt  }
0x5a: {  	_ =	shalt  }
0x5b: {  	_ =	shalt  }
0x5c: {  	_ =	shalt  }
0x5d: {  	_ =	shalt  }
0x5e: {  	_ =	shalt  }
0x5f: {  	_ =	shalt  }
0x60: {  	_ =	shalt  }
0x61: {  	_ =	shalt  }
0x62: {  	_ =	shalt  }
0x63: {  	_ =	shalt  }
0x64: {  	_ =	shalt  }
0x65: {  	_ =	shalt  }
0x66: {  	_ =	shalt  }
0x67: {  	_ =	shalt  }
0x68: {  	_ =	shalt  }
0x69: {  	_ =	shalt  }
0x6a: {  	_ =	shalt  }
0x6b: {  	_ =	shalt  }
0x6c: {  	_ =	shalt  }
0x6d: {  	_ =	shalt  }
0x6e: {  	_ =	shalt  }
0x6f: {  	_ =	shalt  }
0x70: {  	_ =	shalt  }
0x71: {  	_ =	shalt  }
0x72: {  	_ =	shalt  }
0x73: {  	_ =	shalt  }
0x74: {  	_ =	shalt  }
0x75: {  	_ =	shalt  }
0x76: {  	_ =	shalt  }
0x77: {  	_ =	shalt  }
0x78: {  	_ =	shalt  }
0x79: {  	_ =	shalt  }
0x7a: {  	_ =	shalt  }
0x7b: {  	_ =	shalt  }
0x7c: {  	_ =	shalt  }
0x7d: {  	_ =	shalt  }
0x7e: {  	_ =	shalt  }
0x7f: {  	_ =	shalt  }
0x80: {  	_ =	shalt  }
0x81: {  	_ =	shalt  }
0x82: {  	_ =	shalt  }
0x83: {  	_ =	shalt  }
0x84: {  	_ =	shalt  }
0x85: {  	_ =	shalt  }
0x86: {  	_ =	shalt  }
0x87: {  	_ =	shalt  }
.Lfunc_end0:
.L_simem_size_0:
called_computation.3_lowered:
.L_overlay_start_0:
0x88: {  	s2 =	sld [smem:$0x3FD9]  }
0x89: {  	s3 =	sld [smem:$0x3FFE];
	_ =	sdelay $0x1  }
0x8a: {  	s1 =	srdreg.scid  }
0x8b: {  	s0 =	sand.u32 $0x1, s1  }
0x8c: {  	s17 =	sshll.u32 s0, $0xA;
	s2 =	sadd.s32 s3, s2  }
0x8d: {  	s2 =	sadd.s32 s2, s17  }
0x8e: {  	[smem:$0x3FBF] =	sst s2  }
0x8f: {  	_ = 	snop  }
0x90: {  	s2 =	sld [smem:$0x3FD0];
	(tm) =	ssettm $0x1  }
0x91: {  	s18 =	sld [smem:$0x3FFB];
	_ =	sdelay $0x3  }
0x92: {  	_ =	strace s18  }
0x93: {  	s3 =	sld [smem:$0x3FFC];
	_ =	sdelay $0x3  }
0x94: {  	_ =	strace s3  }
0x95: {  	s3 =	sld [smem:$0x3FFD];
	_ =	sdelay $0x3  }
0x96: {  	_ =	strace s3  }
0x97: {  	_ =	strace $0x8FFFFFFF  }
0x98: {  	s19 =	sld [smem:$0x3FDB];
	_ =	sdelay $0x1  }
0x99: {  	s4 =	simm.s32 $_scs_section_size  }
0x9a: {  	s5 =	simm.s32 $_size__tile_overlayer_lowered;
	s6 =	simm.s32 $_tile_overlayer_lowered  }
0x9b: {  	s22 =	simm.s32 $0x1BFF;
	s21 =	sshll.u32 s6, $0x1;
	s3 =	sadd.s32 s4, s19  }
0x9c: {  	s7 =	simm.s32 $0x0;
	s20 =	sshll.u32 s5, $0x1;
	s5 =	sadd.s32 s21, s3  }
0x9d: {  	[timem:s7], [sflag:s22] =	dma.local [hbm:s5], s20  }
0x9e: {  	_ =	swait.ge [sflag:s22], s20  }
0x9f: {  	s4 =	ssub.s32 $0x0, s20;
	[sflag:s22] =	ssyncset.done $0x0  }
0xa0: {  	[sflag:s22] =	ssyncadd.s32 s4;
	_ =	sdelay $0x1  }
0xa1: {  	s23 =	simm.s32 $0x1B8B  }
0xa2: {  	_ =	swait.ge [sflag:s23], $0x1  }
0xa3: {  	[sflag:s23] =	ssyncset.done $0x0  }
0xa4: {  	s25 =	simm.s32 $0x1B8E;
	s24 =	sld [smem:$0x3FFE];
	[sflag:s23] =	ssyncadd.s32 $0xFFFFFFFF  }
0xa5: {  	s26 =	simm.s32 $execute0_lowered;
	[smem:$0x3FD2] =	sst s25  }
0xa6: {  	s5 =	sshll.u32 s26, $0x1;
	_ =	strace $0x80000046;
	[dreg:$0x1] =	wrdreg $0xFFFFFFFF  }
0xa7: {  	s28 =	simm.s32 $_size_execute0_lowered;
	s3 =	sadd.s32 s3, s5;
	[dreg:$0x0] =	wrdreg $0x0  }
0xa8: {  	s5 =	sshll.u32 s28, $0x1;
	[dreg:$0x2] =	wrdreg s3  }
0xa9: {  	[dreg:$0x3] =	wrdreg s5  }
0xaa: {  	[dreg:$0x4] =	wrdreg $0xC0  }
0xab: {  	_ =	task [dreg:s7], $0x5FFFF  }
0xac: {  	[dreg:$0x1] =	wrdreg $0xFFFFFFFF  }
0xad: {  	[dreg:$0x0] =	wrdreg $0x60  }
0xae: {  	[dreg:$0x2] =	wrdreg s2  }
0xaf: {  	[dreg:$0x3] =	wrdreg s24  }
0xb0: {  	[dreg:$0x4] =	wrdreg $0xC  }
0xb1: {  	_ =	task.clear_ibuf [dreg:s7], $0x5FFFF;
	_ =	strace $0x90000046  }
0xb2: {  	s29 =	simm.s32 $0xC;
	_ =	strace $0x80000048  }
0xb3: {  	_ =	swait.ge [sflag:s29], $0x1  }
0xb4: {  	[sflag:s29] =	ssyncadd.s32 $0xFFFFFFFF  }
0xb5: {  	_ =	strace $0x90000048  }
0xb6: {  	_ =	sfence  }
0xb7: {  	s30 =	sld [smem:$0x0];
	_ =	sdelay $0x2  }
0xb8: {  	s31 =	sshll.u32 s1, $0xD;
	s1 =	sshrl.u32 s1, $0x2  }
0xb9: {  	s3 =	sand.u32 $0x4000, s31;
	s1 =	sadd.s32 s1, s30  }
0xba: {  	s0 =	sor.u32 s3, s0;
	s1 =	sshll.u32 s1, $0x11  }
0xbb: {  	s0 =	sor.u32 s1, s0  }
0xbc: {  	s0 =	sadd.s32 $0x8F2B, s0  }
0xbd: {  	[sflag:s0] =	ssyncadd.remote.s32 $0x1  }
0xbe: {  	_ =	sfence.sel $0xFFFF  }
0xbf: {  	[dreg:$0x0] =	wrdreg $0xFFFFFFFF;
	(pc) =	sbr.abs _section_cstart, $3  }
0xc0: {  	[dreg:$0x1] =	wrdreg $0xFFFFFFFF  }
0xc1: {  	_ =	task.clear_ibuf [dreg:s7], $0x2FFFF;
	_ =	strace $0x9FFFFFFF  }
0xc2: {  	(tm) =	ssettm $0x7FFFFFFF  }
0xc3: {  	_ =	shalt  }
tec
execute0_lowered:
.L_overlay_start_1:
0x0: {  	(tag) =	ssettag $0x1  }
0x1: {  	s2 =	rddreg [dreg:$0x0]  }
0x2: {  	s8 =	rddreg [dreg:$0x1]  }
0x3: {  	s0 =	rddreg [dreg:$0x2];
	s1 =	stileid.u32  }
0x4: {  	s3 =	srdreg.scid;
	_ =	strace $0x80000047;
	s4 =	simm.s32 $0x1  }
0x5: {  	s7 =	simm.s32 $0x1;
	s9 =	simm.s32 $0x1;
	s10 =	simm.s32 $0x3  }
0x6: {  	s13 =	simm.s32 $0x0;
	s5 =	sand.u32 $0x1, s3;
	s6 =	sshll.u32 s1, $0x1  }
0x7: {  	s12 =	simm.s32 $0x0;
	s3 =	sadd.s32 $0xBE00, s8;
	s5 =	sor.u32 s6, s5  }
.Ltmp0:
0x8: {  	[sflag:s4] =	ssyncpa.u1 $0x0;
	p0 =	slt.u32 s5, $0x9;
	(pc) =	sbr.rel .LBB2_1-.Ltmp0, $4  }
0x9: {  	s6 =	simm.s32 $0x2;
	s7 =	simm.s32 @!p0 $0x0;
	p0 =	sne.s32 s5, $0x8  }
0xa: {  	[sflag:s6] =	ssyncpa.u1 $0x0;
	s5 =	smul.u32 $0x1F40, s5;
	s9 =	simm.s32 @!p0 $0x0  }
0xb: {  	s8 =	sadd.s32 $0x1FA00, s8;
	[sflag:s10] =	ssyncpa.u1 $0x0;
	s7 =	sadd.s32 s9, s7  }
0xc: {  	vm0 =	vmmov $0xffff;
	s10 =	simm.s32 $0x0;
	s11 =	smov.u32 s5;
	s9 =	sadd.s32 $0x1, s7  }
.LBB2_4:
0xd: {  	v2 =	vnsel vm1, $0x0, v2  }
0xe: {  	vm1 =	vgt.s32 v0, $0x0;
	v2 =	vmin.u32 v2, $0x4E1FF  }
0xf: {  	v0 =	vnsel vm1, $0x0, v0  }
0x10: {  	v0 =	vmin.u32 v0, $0x4E1FF  }
0x11: {  	[tilespmem:s18], [sflag:$0x1] =	stream.indirect_vreg.gather [hbm4b:s2+s10], $0x1, v1, vm0, $0x4038;
	[tilespmem:$0x7D00] =	vst v63  }
0x12: {  	(ifvalue) =	ssetifvalue $0x7FFFFFFF  }
0x13: {  	[tilespmem:s15], [sflag:$0x1] =	stream.indirect_vreg.gather [hbm4b:s2+s10], $0x1, v2, vm0, $0x4038;
	[tilespmem:$0x7D00] =	vst v63  }
0x14: {  	s29 =	sadd.s32 $0x10, s15;
	(ifvalue) =	ssetifvalue $0x7FFFFFFF  }
0x15: {  	[tilespmem:s29], [sflag:$0x1] =	stream.indirect_vreg.gather [hbm4b:s2+s10], $0x1, v0, vm0, $0x4038;
	[tilespmem:$0x7D00] =	vst v63  }
0x16: {  	_ =	swait.ge [sflag:s4], $0x1F40  }
0x17: {  	s30 =	sshrl.u32 s13, $0x3;
	[sflag:s4] =	ssyncset.done $0x0  }
0x18: {  	s31 =	sand.u32 $0x7, s13;
	s15 =	sadd.s32 s8, s30;
	[sflag:s4] =	ssyncadd.s32 $0xFFFFE0C0  }
0x19: {  	[hbm4b:s15+s31] =	stream.linear.scatter [tilespmem:s14], [sflag:$0x3], $0x1F40, $0x38;
	[tilespmem:$0x7D00] =	vst v63  }
.LBB2_5:
0x1a: {  	s15 =	sadd.s32 $0x3E800, s11  }
0x1b: {  	p1 =	sgt.s32 s15, $0x4E1FF  }
0x1c: {  	s15 =	smov.u32 @p1 s5;
	p1 =	sne.s32 s12, s9  }
.Ltmp1:
0x1d: {  	p0 =	slt.u32 s12, $0x2;
	(pc) =	sbr.rel @!p1 .LBB2_6-.Ltmp1, $4  }
0x1e: {  	s14 =	simm.s32 @!p0 $0x3  }
0x1f: {  	_ =	swait.ge @!p0 [sflag:s14], $0x1F40  }
0x20: {  	s16 =	sadd.s32 $0x1, s12;
	s13 =	smov.u32 s11;
	[sflag:s14] =	ssyncset.done @!p0 $0x0  }
0x21: {  	s12 =	smov.u32 s16;
	s11 =	smov.u32 s15;
	[sflag:s14] =	ssyncadd.s32 @!p0 $0xFFFFE0C0  }
.LBB2_1:
0x22: {  	p0 =	sge.u32 s12, s7  }
0x23: {  	s14 =	sxor.u32 @!p0 $0x1, s12  }
0x24: {  	s14 =	smul.u32 @!p0 $0x7D00, s14  }
0x25: {  	s31 =	sadd.s32 $0xFFFFFFFF, s12;
	s15 =	sshrl.u32 @!p0 s11, $0x3  }
0x26: {  	s16 =	sand.u32 @!p0 $0x7, s11;
	s15 =	sadd.s32 @!p0 s3, s15;
	s14 =	sshra.s32 @!p0 s14, $0x2  }
0x27: {  	[tilespmem:s14], [sflag:$0x2] =	stream.linear.gather @!p0 [hbm4b:s15+s16], $0x1F40, $0x38;
	[tilespmem:$0x7D00] =	vst v63  }
0x28: {  	p0 =	sge.u32 s31, s7  }
.Ltmp2:
0x29: {  	_ = 	snop;
	(pc) =	sbr.rel @p0 .LBB2_5-.Ltmp2, $1  }
0x2a: {  	_ =	sdelay $0x3  }
0x2b: {  	s14 =	sand.u32 $0x1, s12  }
0x2c: {  	_ =	swait.ge [sflag:s6], $0x1F40;
	p0 =	seq.s32 s14, $0x1;
	s14 =	simm.s32 $0x1F40  }
0x2d: {  	[sflag:s6] =	ssyncset.done $0x0;
	s14 =	simm.s32 @!p0 $0x0  }
0x2e: {  	[sflag:s6] =	ssyncadd.s32 $0xFFFFE0C0;
	(ifvalue) =	ssetifvalue $0x7FFFFFFF;
	v0 =	vld.msk [tilespmem:s14+$0x0 ss:$0x1], $0xffff;
	_ =	sdelay $0x4  }
0x2f: {  	s15 =	sadd.s32 $0x10, s14;
	vm1 =	vgt.s32 v0, $0x0  }
0x30: {  	v2 =	vld.msk [tilespmem:s15+$0x0 ss:$0x1], $0xffff;
	v1 =	vnsel vm1, $0x0, v0  }
0x31: {  	v1 =	vmin.u32 v1, $0x4E1FF;
	_ =	sdelay $0x2  }
0x32: {  	s17 =	simm.s32 $0x20;
	s14 =	sadd.s32 $0x3E80, s14;
	s16 =	sadd.s32 $0x10, s15  }
0x33: {  	s15 =	sadd.s32 $0x10, s14;
	s18 =	smov.u32 s14;
	v0 =	vld.msk [tilespmem:s16+$0x0 ss:$0x1], $0xffff;
	vm1 =	vgt.s32 v2, $0x0;
	(ifvalue) =	ssetifvalue $0x7FFFFFFF  }
.LBB2_3:
0x34: {  	[tilespmem:s18], [sflag:$0x1] =	stream.indirect_vreg.gather [hbm4b:s2+s10], $0x1, v1, vm0, $0x4038;
	[tilespmem:$0x7D00] =	vst v63  }
0x35: {  	s17 =	sadd.s32 $0x10, s17  }
0x36: {  	v2 =	vnsel vm1, $0x0, v2;
	p0 =	slt.u32 s17, $0x1F30  }
.Ltmp3:
0x37: {  	s18 =	smov.u32 s15;
	v1 =	vmin.u32 v2, $0x4E1FF;
	(pc) =	sbr.rel @p0 .LBB2_3-.Ltmp3, $3  }
0x38: {  	_ =	sdelay $0x1  }
0x39: {  	s16 =	sadd.s32 $0x10, s16  }
0x3a: {  	vm1 =	vgt.s32 v0, $0x0;
	s15 =	sadd.s32 $0x10, s15;
	v2 =	vmov v0;
	(ifvalue) =	ssetifvalue $0x7FFFFFFF;
	v0 =	vld.msk [tilespmem:s16+$0x0 ss:$0x1], $0xffff  }
.Ltmp4:
0x3b: {  	_ = 	snop;
	(pc) =	sbr.rel .LBB2_4-.Ltmp4, $1  }
0x3c: {  	_ =	sdelay $0x3  }
.LBB2_6:
0x3d: {  	_ =	sfence.sel $0x180000  }
0x3e: {  	s2 =	simm.s32 $0x2;
	[bflag:$0x0] =	sbarrier.arrive $0xFFFF  }
0x3f: {  	s30 =	simm.s32 $0x3;
	[sflag:s2] =	ssyncpa.u1 $0x1  }
0x40: {  	s31 =	simm.s32 $0x1;
	[sflag:s30] =	ssyncpa.u1 $0x1  }
0x41: {  	[sflag:s31] =	ssyncpa.u1 $0x1  }
0x42: {  	p0 =	sne.s32 s1, $0x0;
	_ =	strace $0x90000047  }
0x43: {  	s0 =	sadd.s32 @!p0 $0x100000, s0;
	[bflag:$0x2] =	sbarrier.arrive $0xFFFF  }
0x44: {  	[sflag:s0] =	ssyncadd.tile.s32 @!p0 $0x1;
	_ =	shalt  }
.Lfunc_end2:
_tile_overlayer_lowered:
.L_overlay_start_2:
0x45: {  	(tag) =	ssettag $0x2  }
0x46: {  	s0 =	rddreg [dreg:$0x0];
	s2 =	stileid.u32  }
0x47: {  	s1 =	rddreg [dreg:$0x1];
	p0 =	sne.s32 s2, $0x0  }
0x48: {  	s3 =	rddreg [dreg:$0x2];
	[bflag:$0x3] =	sbarrier.arrive $0xFFFF;
	s2 =	simm.s32 @!p0 $0x1C01  }
0x49: {  	[timem:s3], [sflag:s2] =	dma.local @!p0 [hbm:s0], s1  }
0x4a: {  	s0 =	simm.s32 @!p0 $0x1  }
0x4b: {  	_ =	swait.ge @!p0 [sflag:s0], s1  }
0x4c: {  	s1 =	ssub.s32 @!p0 $0x0, s1;
	[sflag:s0] =	ssyncset.done @!p0 $0x0  }
0x4d: {  	[sflag:s0] =	ssyncadd.s32 @!p0 s1  }
0x4e: {  	[bflag:$0x3] =	sbarrier.arrive $0xFFFF  }
0x4f: {  	_ =	shalt  }

// kernel: gather_offload_async_start
scs
__scs_entry_jumppad:
0x0: {  	(pc) =	sbr.rel $0x88, $3  }
0x1: {  	(tag) =	ssettag $0x0;
	lr =	simm.s32 $0x1  }
0x2: {  	[smem:$0x3F98] =	sst lr;
	_ =	strace $0xD0000000  }
0x3: {  	_ = 	snop  }
0x4: {  	_ = 	snop  }
0x5: {  	_ = 	snop  }
0x6: {  	_ = 	snop  }
0x7: {  	_ = 	snop  }
__scs_overlays_trampoline_lowered:
0x8: {  	[smem:$0x3FA7] =	sst s0  }
0x9: {  	[smem:$0x3FA8] =	sst s1  }
0xa: {  	[smem:$0x3FA9] =	sst s2  }
0xb: {  	[smem:$0x3FAA] =	sst s3  }
0xc: {  	[smem:$0x3FAB] =	sst s4  }
0xd: {  	[smem:$0x3FAC] =	sst s5  }
0xe: {  	[smem:$0x3FAD] =	sst s6  }
0xf: {  	[smem:$0x3FAE] =	sst s7  }
0x10: {  	[smem:$0x3FAF] =	sst s8  }
0x11: {  	[smem:$0x3FB0] =	sst s9;
	s0 =	simm.s32 @!p0 $0x0  }
0x12: {  	s1 =	sld [smem:$0x3F96];
	s0 =	simm.s32 @p0 $0x1  }
0x13: {  	[smem:$0x3FB1] =	sst s0;
	s0 =	simm.s32 @!p1 $0x0  }
0x14: {  	s2 =	sld [smem:$0x3F95];
	s0 =	simm.s32 @p1 $0x1  }
0x15: {  	[smem:$0x3FB2] =	sst s0;
	s0 =	simm.s32 @!p2 $0x0  }
0x16: {  	s3 =	sld [smem:$0x3FDB];
	s0 =	simm.s32 @p2 $0x1  }
0x17: {  	s4 =	simm.s32 $0x1BF5;
	[smem:$0x3FB4] =	sst s0  }
0x18: {  	s0 =	sld [smem:$0x3F97];
	_ =	swait.ge [sflag:s4], $0x0  }
0x19: {  	s7 =	sld [smem:$0x3F98]  }
0x1a: {  	s8 =	sadd.s32 $0xFFFFE003, lr  }
0x1b: {  	s9 =	sadd.s32 $0xFFFFFEF7, lr;
	s5 =	simm.s32 $0xFFFFFFFF;
	p2 =	slt.u32 s8, $0xFFFFF086  }
0x1c: {  	p1 =	slt.u32 s9, $0xF7A;
	s5 =	simm.s32 @!p2 $0x0  }
0x1d: {  	s5 =	simm.s32 @p1 $0x1;
	p0 =	seq.s32 s7, s2  }
0x1e: {  	s7 =	smul.u32 @!p0 $0xF7A, s2;
	p2 =	seq.s32 @!p0 s5, $0x0  }
0x1f: {  	s9 =	smul.u32 $0xF7A, s1;
	s8 =	simm.s32 @!p0 $0x1BF5;
	p2 =	por !p2, p0  }
0x20: {  	[sflag:s8] =	ssyncset.s32 @!p0 $0xFFFFF086;
	s6 =	sadd.s32 @!p0 s3, s7;
	s7 =	simm.s32 @!p0 $0x108  }
0x21: {  	s3 =	sadd.s32 s3, s9;
	s6 =	sadd.s32 @!p0 $0x88, s6;
	s7 =	simm.s32 @p2 $0x1082  }
0x22: {  	[simem:s7], [sflag:s8] =	dma.local @!p0 [hbm:s6], $0xF7A  }
0x23: {  	s9 =	sor.u32 $0xD0000000, s2;
	s6 =	simm.s32 $0x108;
	_ =	swait.ge @!p0 [sflag:s8], $0x0  }
0x24: {  	s3 =	sadd.s32 $0x88, s3;
	s6 =	simm.s32 @!p1 $0x1082;
	[sflag:s4] =	ssyncset.s32 $0xFFFFF086  }
0x25: {  	[simem:s6], [sflag:s4] =	dma.local [hbm:s3], $0xF7A  }
0x26: {  	[smem:$0x3F98] =	sst s1;
	(tag) =	ssettag s2;
	_ =	strace s9  }
0x27: {  	s1 =	sld [smem:$0x3FA8]  }
0x28: {  	s2 =	sld [smem:$0x3FA9]  }
0x29: {  	s4 =	sld [smem:$0x3FAB]  }
0x2a: {  	p0 =	seq.s32 s5, $0x0;
	s5 =	sld [smem:$0x3FAC]  }
0x2b: {  	s6 =	sld [smem:$0x3FAD]  }
0x2c: {  	s7 =	sld [smem:$0x3FAE]  }
0x2d: {  	s3 =	simm.s32 $0x108;
	s8 =	sld [smem:$0x3FAF]  }
0x2e: {  	s3 =	simm.s32 @!p0 $0x1082;
	s9 =	sld [smem:$0x3FB0]  }
0x2f: {  	lr =	sadd.s32 s0, s3;
	s0 =	sld [smem:$0x3FA7]  }
0x30: {  	s3 =	sld [smem:$0x3FAA]  }
0x31: {  	[smem:$0x3FB3] =	sst s10  }
0x32: {  	s10 =	sld [smem:$0x3FB1];
	_ =	sdelay $0x3  }
0x33: {  	p0 =	seq.s32 s10, $0x1;
	s10 =	sld [smem:$0x3FB3];
	_ =	sdelay $0x3  }
0x34: {  	[smem:$0x3FB3] =	sst s10  }
0x35: {  	s10 =	sld [smem:$0x3FB2];
	_ =	sdelay $0x3  }
0x36: {  	p1 =	seq.s32 s10, $0x1;
	s10 =	sld [smem:$0x3FB3];
	_ =	sdelay $0x3  }
0x37: {  	[smem:$0x3FB3] =	sst s10  }
0x38: {  	s10 =	sld [smem:$0x3FB4]  }
0x39: {  	_ = 	snop;
	(pc) =	sbr.ind lr, $3  }
0x3a: {  	_ = 	snop  }
0x3b: {  	_ = 	snop  }
0x3c: {  	p2 =	seq.s32 s10, $0x1;
	s10 =	sld [smem:$0x3FB3]  }
0x3d: {  	_ =	shalt  }
0x3e: {  	_ =	shalt  }
0x3f: {  	_ =	shalt  }
0x40: {  	_ =	shalt  }
0x41: {  	_ =	shalt  }
0x42: {  	_ =	shalt  }
0x43: {  	_ =	shalt  }
0x44: {  	_ =	shalt  }
0x45: {  	_ =	shalt  }
0x46: {  	_ =	shalt  }
0x47: {  	_ =	shalt  }
0x48: {  	_ =	shalt  }
0x49: {  	_ =	shalt  }
0x4a: {  	_ =	shalt  }
0x4b: {  	_ =	shalt  }
0x4c: {  	_ =	shalt  }
0x4d: {  	_ =	shalt  }
0x4e: {  	_ =	shalt  }
0x4f: {  	_ =	shalt  }
0x50: {  	_ =	shalt  }
0x51: {  	_ =	shalt  }
0x52: {  	_ =	shalt  }
0x53: {  	_ =	shalt  }
0x54: {  	_ =	shalt  }
0x55: {  	_ =	shalt  }
0x56: {  	_ =	shalt  }
0x57: {  	_ =	shalt  }
0x58: {  	_ =	shalt  }
0x59: {  	_ =	shalt  }
0x5a: {  	_ =	shalt  }
0x5b: {  	_ =	shalt  }
0x5c: {  	_ =	shalt  }
0x5d: {  	_ =	shalt  }
0x5e: {  	_ =	shalt  }
0x5f: {  	_ =	shalt  }
0x60: {  	_ =	shalt  }
0x61: {  	_ =	shalt  }
0x62: {  	_ =	shalt  }
0x63: {  	_ =	shalt  }
0x64: {  	_ =	shalt  }
0x65: {  	_ =	shalt  }
0x66: {  	_ =	shalt  }
0x67: {  	_ =	shalt  }
0x68: {  	_ =	shalt  }
0x69: {  	_ =	shalt  }
0x6a: {  	_ =	shalt  }
0x6b: {  	_ =	shalt  }
0x6c: {  	_ =	shalt  }
0x6d: {  	_ =	shalt  }
0x6e: {  	_ =	shalt  }
0x6f: {  	_ =	shalt  }
0x70: {  	_ =	shalt  }
0x71: {  	_ =	shalt  }
0x72: {  	_ =	shalt  }
0x73: {  	_ =	shalt  }
0x74: {  	_ =	shalt  }
0x75: {  	_ =	shalt  }
0x76: {  	_ =	shalt  }
0x77: {  	_ =	shalt  }
0x78: {  	_ =	shalt  }
0x79: {  	_ =	shalt  }
0x7a: {  	_ =	shalt  }
0x7b: {  	_ =	shalt  }
0x7c: {  	_ =	shalt  }
0x7d: {  	_ =	shalt  }
0x7e: {  	_ =	shalt  }
0x7f: {  	_ =	shalt  }
0x80: {  	_ =	shalt  }
0x81: {  	_ =	shalt  }
0x82: {  	_ =	shalt  }
0x83: {  	_ =	shalt  }
0x84: {  	_ =	shalt  }
0x85: {  	_ =	shalt  }
0x86: {  	_ =	shalt  }
0x87: {  	_ =	shalt  }
.Lfunc_end0:
.L_simem_size_0:
called_computation_lowered:
.L_overlay_start_0:
0x88: {  	s2 =	sld [smem:$0x3FD9]  }
0x89: {  	s3 =	sld [smem:$0x3FFE];
	_ =	sdelay $0x1  }
0x8a: {  	s1 =	srdreg.scid  }
0x8b: {  	s0 =	sand.u32 $0x1, s1  }
0x8c: {  	s17 =	sshll.u32 s0, $0xA;
	s2 =	sadd.s32 s3, s2  }
0x8d: {  	s2 =	sadd.s32 s2, s17  }
0x8e: {  	[smem:$0x3FBF] =	sst s2  }
0x8f: {  	_ = 	snop  }
0x90: {  	s18 =	sld [smem:$0x3FD0];
	(tm) =	ssettm $0x1  }
0x91: {  	s19 =	sld [smem:$0x3FFB];
	_ =	sdelay $0x3  }
0x92: {  	_ =	strace s19  }
0x93: {  	s2 =	sld [smem:$0x3FFC];
	_ =	sdelay $0x3  }
0x94: {  	_ =	strace s2  }
0x95: {  	s2 =	sld [smem:$0x3FFD];
	_ =	sdelay $0x3  }
0x96: {  	_ =	strace s2  }
0x97: {  	_ =	strace $0x8FFFFFFF  }
0x98: {  	s20 =	sld [smem:$0x3FDB];
	_ =	sdelay $0x1  }
0x99: {  	s4 =	simm.s32 $_scs_section_size  }
0x9a: {  	s5 =	simm.s32 $_size__tile_overlayer_lowered;
	s6 =	simm.s32 $_tile_overlayer_lowered  }
0x9b: {  	s7 =	simm.s32 $0x1BFF;
	s21 =	sshll.u32 s6, $0x1;
	s4 =	sadd.s32 s4, s20  }
0x9c: {  	s22 =	simm.s32 $0x0;
	s5 =	sshll.u32 s5, $0x1;
	s6 =	sadd.s32 s21, s4  }
0x9d: {  	[timem:s22], [sflag:s7] =	dma.local [hbm:s6], s5  }
0x9e: {  	_ =	swait.ge [sflag:s7], s5  }
0x9f: {  	s5 =	ssub.s32 $0x0, s5;
	[sflag:s7] =	ssyncset.done $0x0  }
0xa0: {  	[sflag:s7] =	ssyncadd.s32 s5;
	_ =	sdelay $0x1  }
0xa1: {  	s23 =	simm.s32 $0x1B8B  }
0xa2: {  	_ =	swait.ge [sflag:s23], $0x1  }
0xa3: {  	[sflag:s23] =	ssyncset.done $0x0  }
0xa4: {  	[sflag:s23] =	ssyncadd.s32 $0xFFFFFFFF  }
0xa5: {  	s5 =	sld [smem:$0x0]  }
0xa6: {  	s6 =	sand.u32 $0xFFFFFFFE, s1  }
0xa7: {  	p0 =	sne.s32 s1, s6  }
0xa8: {  	s6 =	sshll.u32 @p0 s6, $0xE  }
0xa9: {  	s6 =	sadd.s32 @p0 $0x11B8D, s6;
	s7 =	sshll.u32 @p0 s5, $0x11  }
0xaa: {  	s6 =	sor.u32 @p0 s7, s6  }
0xab: {  	[sflag:s6] =	ssyncadd.remote.s32 @p0 $0x1;
	_ =	sdelay $0x1  }
0xac: {  	s6 =	simm.s32 @p0 $0x1B8D  }
0xad: {  	_ =	swait.eq @p0 [sflag:s6], $0x1  }
0xae: {  	[sflag:s6] =	ssyncadd.s32 @p0 $0xFFFFFFFF  }
0xaf: {  	s7 =	sshll.u32 @!p0 s1, $0xE  }
0xb0: {  	s7 =	sor.u32 @!p0 $0x4000, s7;
	s6 =	simm.s32 @!p0 $0x1B8D  }
0xb1: {  	s5 =	sshll.u32 @!p0 s5, $0x11;
	s7 =	sadd.s32 @!p0 $0x11B8D, s7;
	_ =	swait.eq @!p0 [sflag:s6], $0x1  }
0xb2: {  	s5 =	sor.u32 @!p0 s5, s7;
	[sflag:s6] =	ssyncadd.s32 @!p0 $0xFFFFFFFF  }
0xb3: {  	s25 =	simm.s32 $0x1B8E;
	s24 =	sld [smem:$0x3FFE];
	[sflag:s5] =	ssyncadd.remote.s32 @!p0 $0x1  }
0xb4: {  	s26 =	simm.s32 $execute0_lowered;
	[smem:$0x3FD2] =	sst s25  }
0xb5: {  	s6 =	sshll.u32 s26, $0x1;
	_ =	strace $0x8000004C;
	[dreg:$0x1] =	wrdreg $0xFFFFFFFF  }
0xb6: {  	s28 =	simm.s32 $_size_execute0_lowered;
	s4 =	sadd.s32 s4, s6;
	[dreg:$0x0] =	wrdreg $0x0  }
0xb7: {  	s6 =	sshll.u32 s28, $0x1;
	[dreg:$0x2] =	wrdreg s4  }
0xb8: {  	[dreg:$0x3] =	wrdreg s6  }
0xb9: {  	[dreg:$0x4] =	wrdreg $0xC0  }
0xba: {  	_ =	task [dreg:s22], $0x5FFFF  }
0xbb: {  	[dreg:$0x1] =	wrdreg $0xFFFFFFFF  }
0xbc: {  	[dreg:$0x0] =	wrdreg $0x60  }
0xbd: {  	[dreg:$0x2] =	wrdreg s18  }
0xbe: {  	[dreg:$0x3] =	wrdreg s24  }
0xbf: {  	[dreg:$0x4] =	wrdreg $0x9  }
0xc0: {  	_ =	task.clear_ibuf [dreg:s22], $0x5FFFF;
	_ =	strace $0x9000004C  }
0xc1: {  	s29 =	simm.s32 $0x9;
	_ =	strace $0x8000004E  }
0xc2: {  	_ =	swait.ge [sflag:s29], $0x1  }
0xc3: {  	[sflag:s29] =	ssyncadd.s32 $0xFFFFFFFF  }
0xc4: {  	_ =	strace $0x9000004E  }
0xc5: {  	_ =	sfence  }
0xc6: {  	s30 =	sld [smem:$0x0];
	_ =	sdelay $0x2  }
0xc7: {  	s31 =	sshll.u32 s1, $0xD;
	s1 =	sshrl.u32 s1, $0x2  }
0xc8: {  	s4 =	sand.u32 $0x4000, s31;
	s1 =	sadd.s32 s1, s30  }
0xc9: {  	s0 =	sor.u32 s4, s0;
	s1 =	sshll.u32 s1, $0x11  }
0xca: {  	s0 =	sor.u32 s1, s0  }
0xcb: {  	s0 =	sadd.s32 $0x8F2B, s0  }
0xcc: {  	[sflag:s0] =	ssyncadd.remote.s32 $0x1  }
0xcd: {  	_ =	sfence.sel $0xFFFF  }
0xce: {  	[dreg:$0x0] =	wrdreg $0xFFFFFFFF;
	(pc) =	sbr.abs _section_cstart, $3  }
0xcf: {  	[dreg:$0x1] =	wrdreg $0xFFFFFFFF  }
0xd0: {  	_ =	task.clear_ibuf [dreg:s22], $0x2FFFF;
	_ =	strace $0x9FFFFFFF  }
0xd1: {  	(tm) =	ssettm $0x7FFFFFFF  }
tec
execute0_lowered:
.L_overlay_start_1:
0x0: {  	(tag) =	ssettag $0x1  }
0x1: {  	s2 =	rddreg [dreg:$0x0]  }
0x2: {  	s8 =	rddreg [dreg:$0x1]  }
0x3: {  	s0 =	rddreg [dreg:$0x2];
	s1 =	stileid.u32  }
0x4: {  	s3 =	srdreg.scid;
	_ =	strace $0x8000004D;
	s4 =	simm.s32 $0x1  }
0x5: {  	s7 =	simm.s32 $0x1;
	s9 =	simm.s32 $0x1;
	s10 =	simm.s32 $0x3  }
0x6: {  	s13 =	simm.s32 $0x0;
	s5 =	sand.u32 $0x1, s3;
	s6 =	sshll.u32 s1, $0x1  }
0x7: {  	s12 =	simm.s32 $0x0;
	s3 =	sadd.s32 $0x15C00, s8;
	s5 =	sor.u32 s6, s5  }
.Ltmp0:
0x8: {  	[sflag:s4] =	ssyncpa.u1 $0x0;
	p0 =	slt.u32 s5, $0x9;
	(pc) =	sbr.rel .LBB2_1-.Ltmp0, $4  }
0x9: {  	s6 =	simm.s32 $0x2;
	s7 =	simm.s32 @!p0 $0x0;
	p0 =	sne.s32 s5, $0x8  }
0xa: {  	[sflag:s6] =	ssyncpa.u1 $0x0;
	s5 =	smul.u32 $0x1F40, s5;
	s9 =	simm.s32 @!p0 $0x0  }
0xb: {  	s8 =	sadd.s32 $0x3D400, s8;
	[sflag:s10] =	ssyncpa.u1 $0x0;
	s7 =	sadd.s32 s9, s7  }
0xc: {  	vm0 =	vmmov $0xffff;
	s10 =	simm.s32 $0x0;
	s11 =	smov.u32 s5;
	s9 =	sadd.s32 $0x1, s7  }
.LBB2_4:
0xd: {  	v2 =	vnsel vm1, $0x0, v2  }
0xe: {  	vm1 =	vgt.s32 v0, $0x0;
	v2 =	vmin.u32 v2, $0x4E1FF  }
0xf: {  	v0 =	vnsel vm1, $0x0, v0  }
0x10: {  	v0 =	vmin.u32 v0, $0x4E1FF  }
0x11: {  	[tilespmem:s18], [sflag:$0x1] =	stream.indirect_vreg.gather [hbm4b:s2+s10], $0x1, v1, vm0, $0x4038;
	[tilespmem:$0x7D00] =	vst v63  }
0x12: {  	(ifvalue) =	ssetifvalue $0x7FFFFFFF  }
0x13: {  	[tilespmem:s15], [sflag:$0x1] =	stream.indirect_vreg.gather [hbm4b:s2+s10], $0x1, v2, vm0, $0x4038;
	[tilespmem:$0x7D00] =	vst v63  }
0x14: {  	s29 =	sadd.s32 $0x10, s15;
	(ifvalue) =	ssetifvalue $0x7FFFFFFF  }
0x15: {  	[tilespmem:s29], [sflag:$0x1] =	stream.indirect_vreg.gather [hbm4b:s2+s10], $0x1, v0, vm0, $0x4038;
	[tilespmem:$0x7D00] =	vst v63  }
0x16: {  	_ =	swait.ge [sflag:s4], $0x1F40  }
0x17: {  	s30 =	sshrl.u32 s13, $0x3;
	[sflag:s4] =	ssyncset.done $0x0  }
0x18: {  	s31 =	sand.u32 $0x7, s13;
	s15 =	sadd.s32 s8, s30;
	[sflag:s4] =	ssyncadd.s32 $0xFFFFE0C0  }
0x19: {  	[hbm4b:s15+s31] =	stream.linear.scatter [tilespmem:s14], [sflag:$0x3], $0x1F40, $0x38;
	[tilespmem:$0x7D00] =	vst v63  }
.LBB2_5:
0x1a: {  	s15 =	sadd.s32 $0x3E800, s11  }
0x1b: {  	p1 =	sgt.s32 s15, $0x4E1FF  }
0x1c: {  	s15 =	smov.u32 @p1 s5;
	p1 =	sne.s32 s12, s9  }
.Ltmp1:
0x1d: {  	p0 =	slt.u32 s12, $0x2;
	(pc) =	sbr.rel @!p1 .LBB2_6-.Ltmp1, $4  }
0x1e: {  	s14 =	simm.s32 @!p0 $0x3  }
0x1f: {  	_ =	swait.ge @!p0 [sflag:s14], $0x1F40  }
0x20: {  	s16 =	sadd.s32 $0x1, s12;
	s13 =	smov.u32 s11;
	[sflag:s14] =	ssyncset.done @!p0 $0x0  }
0x21: {  	s12 =	smov.u32 s16;
	s11 =	smov.u32 s15;
	[sflag:s14] =	ssyncadd.s32 @!p0 $0xFFFFE0C0  }
.LBB2_1:
0x22: {  	p0 =	sge.u32 s12, s7  }
0x23: {  	s14 =	sxor.u32 @!p0 $0x1, s12  }
0x24: {  	s14 =	smul.u32 @!p0 $0x7D00, s14  }
0x25: {  	s31 =	sadd.s32 $0xFFFFFFFF, s12;
	s15 =	sshrl.u32 @!p0 s11, $0x3  }
0x26: {  	s16 =	sand.u32 @!p0 $0x7, s11;
	s15 =	sadd.s32 @!p0 s3, s15;
	s14 =	sshra.s32 @!p0 s14, $0x2  }
0x27: {  	[tilespmem:s14], [sflag:$0x2] =	stream.linear.gather @!p0 [hbm4b:s15+s16], $0x1F40, $0x38;
	[tilespmem:$0x7D00] =	vst v63  }
0x28: {  	p0 =	sge.u32 s31, s7  }
.Ltmp2:
0x29: {  	_ = 	snop;
	(pc) =	sbr.rel @p0 .LBB2_5-.Ltmp2, $1  }
0x2a: {  	_ =	sdelay $0x3  }
0x2b: {  	s14 =	sand.u32 $0x1, s12  }
0x2c: {  	_ =	swait.ge [sflag:s6], $0x1F40;
	p0 =	seq.s32 s14, $0x1;
	s14 =	simm.s32 $0x1F40  }
0x2d: {  	[sflag:s6] =	ssyncset.done $0x0;
	s14 =	simm.s32 @!p0 $0x0  }
0x2e: {  	[sflag:s6] =	ssyncadd.s32 $0xFFFFE0C0;
	(ifvalue) =	ssetifvalue $0x7FFFFFFF;
	v0 =	vld.msk [tilespmem:s14+$0x0 ss:$0x1], $0xffff;
	_ =	sdelay $0x4  }
0x2f: {  	s15 =	sadd.s32 $0x10, s14;
	vm1 =	vgt.s32 v0, $0x0  }
0x30: {  	v2 =	vld.msk [tilespmem:s15+$0x0 ss:$0x1], $0xffff;
	v1 =	vnsel vm1, $0x0, v0  }
0x31: {  	v1 =	vmin.u32 v1, $0x4E1FF;
	_ =	sdelay $0x2  }
0x32: {  	s17 =	simm.s32 $0x20;
	s14 =	sadd.s32 $0x3E80, s14;
	s16 =	sadd.s32 $0x10, s15  }
0x33: {  	s15 =	sadd.s32 $0x10, s14;
	s18 =	smov.u32 s14;
	v0 =	vld.msk [tilespmem:s16+$0x0 ss:$0x1], $0xffff;
	vm1 =	vgt.s32 v2, $0x0;
	(ifvalue) =	ssetifvalue $0x7FFFFFFF  }
.LBB2_3:
0x34: {  	[tilespmem:s18], [sflag:$0x1] =	stream.indirect_vreg.gather [hbm4b:s2+s10], $0x1, v1, vm0, $0x4038;
	[tilespmem:$0x7D00] =	vst v63  }
0x35: {  	s17 =	sadd.s32 $0x10, s17  }
0x36: {  	v2 =	vnsel vm1, $0x0, v2;
	p0 =	slt.u32 s17, $0x1F30  }
.Ltmp3:
0x37: {  	s18 =	smov.u32 s15;
	v1 =	vmin.u32 v2, $0x4E1FF;
	(pc) =	sbr.rel @p0 .LBB2_3-.Ltmp3, $3  }
0x38: {  	_ =	sdelay $0x1  }
0x39: {  	s16 =	sadd.s32 $0x10, s16  }
0x3a: {  	vm1 =	vgt.s32 v0, $0x0;
	s15 =	sadd.s32 $0x10, s15;
	v2 =	vmov v0;
	(ifvalue) =	ssetifvalue $0x7FFFFFFF;
	v0 =	vld.msk [tilespmem:s16+$0x0 ss:$0x1], $0xffff  }
.Ltmp4:
0x3b: {  	_ = 	snop;
	(pc) =	sbr.rel .LBB2_4-.Ltmp4, $1  }
0x3c: {  	_ =	sdelay $0x3  }
.LBB2_6:
0x3d: {  	_ =	sfence.sel $0x180000  }
0x3e: {  	s2 =	simm.s32 $0x2;
	[bflag:$0x0] =	sbarrier.arrive $0xFFFF  }
0x3f: {  	s30 =	simm.s32 $0x3;
	[sflag:s2] =	ssyncpa.u1 $0x1  }
0x40: {  	s31 =	simm.s32 $0x1;
	[sflag:s30] =	ssyncpa.u1 $0x1  }
0x41: {  	[sflag:s31] =	ssyncpa.u1 $0x1  }
0x42: {  	p0 =	sne.s32 s1, $0x0;
	_ =	strace $0x9000004D  }
0x43: {  	s0 =	sadd.s32 @!p0 $0x100000, s0;
	[bflag:$0x2] =	sbarrier.arrive $0xFFFF  }
0x44: {  	[sflag:s0] =	ssyncadd.tile.s32 @!p0 $0x1;
	_ =	shalt  }
.Lfunc_end2:
_tile_overlayer_lowered:
.L_overlay_start_2:
0x45: {  	(tag) =	ssettag $0x2  }
0x46: {  	s0 =	rddreg [dreg:$0x0];
	s2 =	stileid.u32  }
0x47: {  	s1 =	rddreg [dreg:$0x1];
	p0 =	sne.s32 s2, $0x0  }
0x48: {  	s3 =	rddreg [dreg:$0x2];
	[bflag:$0x3] =	sbarrier.arrive $0xFFFF;
	s2 =	simm.s32 @!p0 $0x1C01  }
0x49: {  	[timem:s3], [sflag:s2] =	dma.local @!p0 [hbm:s0], s1  }
0x4a: {  	s0 =	simm.s32 @!p0 $0x1  }
0x4b: {  	_ =	swait.ge @!p0 [sflag:s0], s1  }
0x4c: {  	s1 =	ssub.s32 @!p0 $0x0, s1;
	[sflag:s0] =	ssyncset.done @!p0 $0x0  }
0x4d: {  	[sflag:s0] =	ssyncadd.s32 @!p0 s1  }
0x4e: {  	[bflag:$0x3] =	sbarrier.arrive $0xFFFF  }
0x4f: {  	_ =	shalt  }

// kernel: kernel.5.cloned.1.call-start
scs
__scs_entry_jumppad:
0x0: {  	(pc) =	sbr.rel $0x88, $3  }
0x1: {  	(tag) =	ssettag $0x0;
	lr =	simm.s32 $0x1  }
0x2: {  	[smem:$0x3F98] =	sst lr;
	_ =	strace $0xD0000000  }
0x3: {  	_ = 	snop  }
0x4: {  	_ = 	snop  }
0x5: {  	_ = 	snop  }
0x6: {  	_ = 	snop  }
0x7: {  	_ = 	snop  }
__scs_overlays_trampoline_lowered:
0x8: {  	[smem:$0x3FA7] =	sst s0  }
0x9: {  	[smem:$0x3FA8] =	sst s1  }
0xa: {  	[smem:$0x3FA9] =	sst s2  }
0xb: {  	[smem:$0x3FAA] =	sst s3  }
0xc: {  	[smem:$0x3FAB] =	sst s4  }
0xd: {  	[smem:$0x3FAC] =	sst s5  }
0xe: {  	[smem:$0x3FAD] =	sst s6  }
0xf: {  	[smem:$0x3FAE] =	sst s7  }
0x10: {  	[smem:$0x3FAF] =	sst s8  }
0x11: {  	[smem:$0x3FB0] =	sst s9;
	s0 =	simm.s32 @!p0 $0x0  }
0x12: {  	s1 =	sld [smem:$0x3F96];
	s0 =	simm.s32 @p0 $0x1  }
0x13: {  	[smem:$0x3FB1] =	sst s0;
	s0 =	simm.s32 @!p1 $0x0  }
0x14: {  	s2 =	sld [smem:$0x3F95];
	s0 =	simm.s32 @p1 $0x1  }
0x15: {  	[smem:$0x3FB2] =	sst s0;
	s0 =	simm.s32 @!p2 $0x0  }
0x16: {  	s3 =	sld [smem:$0x3FDB];
	s0 =	simm.s32 @p2 $0x1  }
0x17: {  	s4 =	simm.s32 $0x1BF5;
	[smem:$0x3FB4] =	sst s0  }
0x18: {  	s0 =	sld [smem:$0x3F97];
	_ =	swait.ge [sflag:s4], $0x0  }
0x19: {  	s7 =	sld [smem:$0x3F98]  }
0x1a: {  	s8 =	sadd.s32 $0xFFFFE003, lr  }
0x1b: {  	s9 =	sadd.s32 $0xFFFFFEF7, lr;
	s5 =	simm.s32 $0xFFFFFFFF;
	p2 =	slt.u32 s8, $0xFFFFF086  }
0x1c: {  	p1 =	slt.u32 s9, $0xF7A;
	s5 =	simm.s32 @!p2 $0x0  }
0x1d: {  	s5 =	simm.s32 @p1 $0x1;
	p0 =	seq.s32 s7, s2  }
0x1e: {  	s7 =	smul.u32 @!p0 $0xF7A, s2;
	p2 =	seq.s32 @!p0 s5, $0x0  }
0x1f: {  	s9 =	smul.u32 $0xF7A, s1;
	s8 =	simm.s32 @!p0 $0x1BF5;
	p2 =	por !p2, p0  }
0x20: {  	[sflag:s8] =	ssyncset.s32 @!p0 $0xFFFFF086;
	s6 =	sadd.s32 @!p0 s3, s7;
	s7 =	simm.s32 @!p0 $0x108  }
0x21: {  	s3 =	sadd.s32 s3, s9;
	s6 =	sadd.s32 @!p0 $0x88, s6;
	s7 =	simm.s32 @p2 $0x1082  }
0x22: {  	[simem:s7], [sflag:s8] =	dma.local @!p0 [hbm:s6], $0xF7A  }
0x23: {  	s9 =	sor.u32 $0xD0000000, s2;
	s6 =	simm.s32 $0x108;
	_ =	swait.ge @!p0 [sflag:s8], $0x0  }
0x24: {  	s3 =	sadd.s32 $0x88, s3;
	s6 =	simm.s32 @!p1 $0x1082;
	[sflag:s4] =	ssyncset.s32 $0xFFFFF086  }
0x25: {  	[simem:s6], [sflag:s4] =	dma.local [hbm:s3], $0xF7A  }
0x26: {  	[smem:$0x3F98] =	sst s1;
	(tag) =	ssettag s2;
	_ =	strace s9  }
0x27: {  	s1 =	sld [smem:$0x3FA8]  }
0x28: {  	s2 =	sld [smem:$0x3FA9]  }
0x29: {  	s4 =	sld [smem:$0x3FAB]  }
0x2a: {  	p0 =	seq.s32 s5, $0x0;
	s5 =	sld [smem:$0x3FAC]  }
0x2b: {  	s6 =	sld [smem:$0x3FAD]  }
0x2c: {  	s7 =	sld [smem:$0x3FAE]  }
0x2d: {  	s3 =	simm.s32 $0x108;
	s8 =	sld [smem:$0x3FAF]  }
0x2e: {  	s3 =	simm.s32 @!p0 $0x1082;
	s9 =	sld [smem:$0x3FB0]  }
0x2f: {  	lr =	sadd.s32 s0, s3;
	s0 =	sld [smem:$0x3FA7]  }
0x30: {  	s3 =	sld [smem:$0x3FAA]  }
0x31: {  	[smem:$0x3FB3] =	sst s10  }
0x32: {  	s10 =	sld [smem:$0x3FB1];
	_ =	sdelay $0x3  }
0x33: {  	p0 =	seq.s32 s10, $0x1;
	s10 =	sld [smem:$0x3FB3];
	_ =	sdelay $0x3  }
0x34: {  	[smem:$0x3FB3] =	sst s10  }
0x35: {  	s10 =	sld [smem:$0x3FB2];
	_ =	sdelay $0x3  }
0x36: {  	p1 =	seq.s32 s10, $0x1;
	s10 =	sld [smem:$0x3FB3];
	_ =	sdelay $0x3  }
0x37: {  	[smem:$0x3FB3] =	sst s10  }
0x38: {  	s10 =	sld [smem:$0x3FB4]  }
0x39: {  	_ = 	snop;
	(pc) =	sbr.ind lr, $3  }
0x3a: {  	_ = 	snop  }
0x3b: {  	_ = 	snop  }
0x3c: {  	p2 =	seq.s32 s10, $0x1;
	s10 =	sld [smem:$0x3FB3]  }
0x3d: {  	_ =	shalt  }
0x3e: {  	_ =	shalt  }
0x3f: {  	_ =	shalt  }
0x40: {  	_ =	shalt  }
0x41: {  	_ =	shalt  }
0x42: {  	_ =	shalt  }
0x43: {  	_ =	shalt  }
0x44: {  	_ =	shalt  }
0x45: {  	_ =	shalt  }
0x46: {  	_ =	shalt  }
0x47: {  	_ =	shalt  }
0x48: {  	_ =	shalt  }
0x49: {  	_ =	shalt  }
0x4a: {  	_ =	shalt  }
0x4b: {  	_ =	shalt  }
0x4c: {  	_ =	shalt  }
0x4d: {  	_ =	shalt  }
0x4e: {  	_ =	shalt  }
0x4f: {  	_ =	shalt  }
0x50: {  	_ =	shalt  }
0x51: {  	_ =	shalt  }
0x52: {  	_ =	shalt  }
0x53: {  	_ =	shalt  }
0x54: {  	_ =	shalt  }
0x55: {  	_ =	shalt  }
0x56: {  	_ =	shalt  }
0x57: {  	_ =	shalt  }
0x58: {  	_ =	shalt  }
0x59: {  	_ =	shalt  }
0x5a: {  	_ =	shalt  }
0x5b: {  	_ =	shalt  }
0x5c: {  	_ =	shalt  }
0x5d: {  	_ =	shalt  }
0x5e: {  	_ =	shalt  }
0x5f: {  	_ =	shalt  }
0x60: {  	_ =	shalt  }
0x61: {  	_ =	shalt  }
0x62: {  	_ =	shalt  }
0x63: {  	_ =	shalt  }
0x64: {  	_ =	shalt  }
0x65: {  	_ =	shalt  }
0x66: {  	_ =	shalt  }
0x67: {  	_ =	shalt  }
0x68: {  	_ =	shalt  }
0x69: {  	_ =	shalt  }
0x6a: {  	_ =	shalt  }
0x6b: {  	_ =	shalt  }
0x6c: {  	_ =	shalt  }
0x6d: {  	_ =	shalt  }
0x6e: {  	_ =	shalt  }
0x6f: {  	_ =	shalt  }
0x70: {  	_ =	shalt  }
0x71: {  	_ =	shalt  }
0x72: {  	_ =	shalt  }
0x73: {  	_ =	shalt  }
0x74: {  	_ =	shalt  }
0x75: {  	_ =	shalt  }
0x76: {  	_ =	shalt  }
0x77: {  	_ =	shalt  }
0x78: {  	_ =	shalt  }
0x79: {  	_ =	shalt  }
0x7a: {  	_ =	shalt  }
0x7b: {  	_ =	shalt  }
0x7c: {  	_ =	shalt  }
0x7d: {  	_ =	shalt  }
0x7e: {  	_ =	shalt  }
0x7f: {  	_ =	shalt  }
0x80: {  	_ =	shalt  }
0x81: {  	_ =	shalt  }
0x82: {  	_ =	shalt  }
0x83: {  	_ =	shalt  }
0x84: {  	_ =	shalt  }
0x85: {  	_ =	shalt  }
0x86: {  	_ =	shalt  }
0x87: {  	_ =	shalt  }
.Lfunc_end0:
.L_simem_size_0:
called_computation.4_lowered:
.L_overlay_start_0:
0x88: {  	s2 =	sld [smem:$0x3FD9]  }
0x89: {  	s3 =	sld [smem:$0x3FFE];
	_ =	sdelay $0x1  }
0x8a: {  	s1 =	srdreg.scid  }
0x8b: {  	s0 =	sand.u32 $0x1, s1  }
0x8c: {  	s17 =	sshll.u32 s0, $0xA;
	s2 =	sadd.s32 s3, s2  }
0x8d: {  	s2 =	sadd.s32 s2, s17  }
0x8e: {  	[smem:$0x3FBF] =	sst s2  }
0x8f: {  	_ = 	snop  }
0x90: {  	(tm) =	ssettm $0x1  }
0x91: {  	s18 =	sld [smem:$0x3FFB];
	_ =	sdelay $0x3  }
0x92: {  	_ =	strace s18  }
0x93: {  	s2 =	sld [smem:$0x3FFC];
	_ =	sdelay $0x3  }
0x94: {  	_ =	strace s2  }
0x95: {  	s2 =	sld [smem:$0x3FFD];
	_ =	sdelay $0x3  }
0x96: {  	_ =	strace s2  }
0x97: {  	_ =	strace $0x8FFFFFFF  }
0x98: {  	s19 =	sld [smem:$0x3FDB];
	_ =	sdelay $0x1  }
0x99: {  	s20 =	simm.s32 $_scs_section_size  }
0x9a: {  	s4 =	simm.s32 $_size__tile_overlayer_lowered;
	s5 =	simm.s32 $_tile_overlayer_lowered  }
0x9b: {  	s6 =	simm.s32 $0x1BFF;
	s21 =	sshll.u32 s5, $0x1;
	s3 =	sadd.s32 s20, s19  }
0x9c: {  	s22 =	simm.s32 $0x0;
	s4 =	sshll.u32 s4, $0x1;
	s5 =	sadd.s32 s21, s3  }
0x9d: {  	[timem:s22], [sflag:s6] =	dma.local [hbm:s5], s4  }
0x9e: {  	_ =	swait.ge [sflag:s6], s4  }
0x9f: {  	s4 =	ssub.s32 $0x0, s4;
	[sflag:s6] =	ssyncset.done $0x0  }
0xa0: {  	[sflag:s6] =	ssyncadd.s32 s4;
	_ =	sdelay $0x1  }
0xa1: {  	s23 =	simm.s32 $0x1B8B  }
0xa2: {  	_ =	swait.ge [sflag:s23], $0x1  }
0xa3: {  	[sflag:s23] =	ssyncset.done $0x0  }
0xa4: {  	[sflag:s23] =	ssyncadd.s32 $0xFFFFFFFF  }
0xa5: {  	s4 =	sld [smem:$0x0]  }
0xa6: {  	s5 =	sand.u32 $0xFFFFFFFE, s1  }
0xa7: {  	p0 =	sne.s32 s1, s5  }
0xa8: {  	s5 =	sshll.u32 @p0 s5, $0xE  }
0xa9: {  	s5 =	sadd.s32 @p0 $0x11B8D, s5;
	s6 =	sshll.u32 @p0 s4, $0x11  }
0xaa: {  	s5 =	sor.u32 @p0 s6, s5  }
0xab: {  	[sflag:s5] =	ssyncadd.remote.s32 @p0 $0x1;
	_ =	sdelay $0x1  }
0xac: {  	s5 =	simm.s32 @p0 $0x1B8D  }
0xad: {  	_ =	swait.eq @p0 [sflag:s5], $0x1  }
0xae: {  	[sflag:s5] =	ssyncadd.s32 @p0 $0xFFFFFFFF  }
0xaf: {  	s6 =	sshll.u32 @!p0 s1, $0xE  }
0xb0: {  	s6 =	sor.u32 @!p0 $0x4000, s6;
	s5 =	simm.s32 @!p0 $0x1B8D  }
0xb1: {  	s4 =	sshll.u32 @!p0 s4, $0x11;
	s6 =	sadd.s32 @!p0 $0x11B8D, s6;
	_ =	swait.eq @!p0 [sflag:s5], $0x1  }
0xb2: {  	s4 =	sor.u32 @!p0 s4, s6;
	[sflag:s5] =	ssyncadd.s32 @!p0 $0xFFFFFFFF  }
0xb3: {  	s25 =	simm.s32 $0x1B8E;
	s24 =	sld [smem:$0x3FFE];
	[sflag:s4] =	ssyncadd.remote.s32 @!p0 $0x1  }
0xb4: {  	s26 =	simm.s32 $execute0_lowered;
	[smem:$0x3FD2] =	sst s25  }
0xb5: {  	s5 =	sshll.u32 s26, $0x1;
	_ =	strace $0x80000052;
	[dreg:$0x1] =	wrdreg $0xFFFFFFFF  }
0xb6: {  	s28 =	simm.s32 $_size_execute0_lowered;
	s3 =	sadd.s32 s3, s5;
	[dreg:$0x0] =	wrdreg $0x0  }
0xb7: {  	s5 =	sshll.u32 s28, $0x1;
	[dreg:$0x2] =	wrdreg s3  }
0xb8: {  	[dreg:$0x3] =	wrdreg s5  }
0xb9: {  	[dreg:$0x4] =	wrdreg $0xC0  }
0xba: {  	_ =	task [dreg:s22], $0x5FFFF  }
0xbb: {  	[dreg:$0x1] =	wrdreg $0xFFFFFFFF  }
0xbc: {  	[dreg:$0x0] =	wrdreg $0x60  }
0xbd: {  	[dreg:$0x2] =	wrdreg s24  }
0xbe: {  	[dreg:$0x3] =	wrdreg $0x9000  }
0xbf: {  	[dreg:$0x4] =	wrdreg $0xB800  }
0xc0: {  	[dreg:$0x5] =	wrdreg $0xD  }
0xc1: {  	_ =	task.clear_ibuf [dreg:s22], $0x6FFFF;
	_ =	strace $0x90000052  }
0xc2: {  	s29 =	simm.s32 $0xD;
	_ =	strace $0x80000054  }
0xc3: {  	_ =	swait.ge [sflag:s29], $0x1  }
0xc4: {  	[sflag:s29] =	ssyncadd.s32 $0xFFFFFFFF  }
0xc5: {  	_ =	strace $0x90000054  }
0xc6: {  	_ =	sfence  }
0xc7: {  	s30 =	sld [smem:$0x0];
	_ =	sdelay $0x2  }
0xc8: {  	s31 =	sshll.u32 s1, $0xD;
	s1 =	sshrl.u32 s1, $0x2  }
0xc9: {  	s4 =	sand.u32 $0x4000, s31;
	s1 =	sadd.s32 s1, s30  }
0xca: {  	s0 =	sor.u32 s4, s0;
	s1 =	sshll.u32 s1, $0x11  }
0xcb: {  	s0 =	sor.u32 s1, s0  }
0xcc: {  	s0 =	sadd.s32 $0x8F2B, s0  }
0xcd: {  	[sflag:s0] =	ssyncadd.remote.s32 $0x1  }
0xce: {  	_ =	sfence.sel $0xFFFF  }
0xcf: {  	[dreg:$0x0] =	wrdreg $0xFFFFFFFF;
	(pc) =	sbr.abs _section_cstart, $3  }
0xd0: {  	[dreg:$0x1] =	wrdreg $0xFFFFFFFF  }
0xd1: {  	_ =	task.clear_ibuf [dreg:s22], $0x2FFFF;
	_ =	strace $0x9FFFFFFF  }
0xd2: {  	(tm) =	ssettm $0x7FFFFFFF  }
0xd3: {  	_ =	shalt  }
tec
execute0_lowered:
.L_overlay_start_1:
0x0: {  	(tag) =	ssettag $0x1  }
0x1: {  	s1 =	srdreg.scid  }
0x2: {  	s1 =	sand.u32 $0x1, s1  }
0x3: {  	p0 =	seq.s32 s1, $0x1  }
.Ltmp0:
0x4: {  	s3 =	rddreg [dreg:$0x0];
	(pc) =	sbr.rel @p0 .LBB2_8-.Ltmp0, $4  }
0x5: {  	s6 =	rddreg [dreg:$0x1]  }
0x6: {  	s5 =	rddreg [dreg:$0x2];
	s7 =	simm.s32 $0x0  }
0x7: {  	[smem:$0x7FF] =	sst s7  }
0x8: {  	s0 =	rddreg [dreg:$0x3];
	_ =	strace $0x80000053;
	s1 =	stileid.u32  }
0x9: {  	v0 =	vimm.f32 $0.0e+00  }
0xa: {  	[tilespmem:$0x180] =	vst v0  }
0xb: {  	[tilespmem:$0x190] =	vst v0  }
0xc: {  	[tilespmem:$0x1A0] =	vst v0  }
0xd: {  	[tilespmem:$0x1B0] =	vst v0  }
0xe: {  	[tilespmem:$0x1C0] =	vst v0  }
0xf: {  	[tilespmem:$0x1D0] =	vst v0  }
0x10: {  	[tilespmem:$0x1E0] =	vst v0  }
0x11: {  	[tilespmem:$0x1F0] =	vst v0  }
0x12: {  	[tilespmem:$0x200] =	vst v0  }
0x13: {  	[tilespmem:$0x210] =	vst v0  }
0x14: {  	[tilespmem:$0x220] =	vst v0  }
0x15: {  	[tilespmem:$0x230] =	vst v0  }
0x16: {  	[tilespmem:$0x240] =	vst v0  }
0x17: {  	[tilespmem:$0x250] =	vst v0  }
0x18: {  	[tilespmem:$0x260] =	vst v0  }
0x19: {  	[tilespmem:$0x270] =	vst v0  }
0x1a: {  	[tilespmem:$0x280] =	vst v0  }
0x1b: {  	[tilespmem:$0x290] =	vst v0  }
0x1c: {  	[tilespmem:$0x2A0] =	vst v0  }
0x1d: {  	[tilespmem:$0x2B0] =	vst v0  }
0x1e: {  	[tilespmem:$0x2C0] =	vst v0  }
0x1f: {  	[tilespmem:$0x2D0] =	vst v0  }
0x20: {  	[tilespmem:$0x2E0] =	vst v0  }
0x21: {  	[tilespmem:$0x2F0] =	vst v0  }
0x22: {  	[tilespmem:$0x300] =	vst v0  }
0x23: {  	[tilespmem:$0x310] =	vst v0  }
0x24: {  	[tilespmem:$0x320] =	vst v0  }
0x25: {  	[tilespmem:$0x330] =	vst v0  }
0x26: {  	[tilespmem:$0x340] =	vst v0  }
0x27: {  	[tilespmem:$0x350] =	vst v0  }
0x28: {  	[tilespmem:$0x360] =	vst v0  }
0x29: {  	[tilespmem:$0x370] =	vst v0  }
0x2a: {  	[tilespmem:$0x380] =	vst v0  }
0x2b: {  	[tilespmem:$0x390] =	vst v0  }
0x2c: {  	[tilespmem:$0x3A0] =	vst v0  }
0x2d: {  	[tilespmem:$0x3B0] =	vst v0  }
0x2e: {  	[tilespmem:$0x3C0] =	vst v0  }
0x2f: {  	s2 =	smul.u32 $0x280, s1;
	[tilespmem:$0x3D0] =	vst v0  }
0x30: {  	[tilespmem:$0x3E0] =	vst v0  }
0x31: {  	s10 =	simm.s32 $0x180;
	s9 =	simm.s32 $0x1;
	[tilespmem:$0x3F0] =	vst v0;
	s8 =	sadd.s32 s2, s6  }
0x32: {  	[spmem:s8] =	stream.linear.scatter [tilespmem:s10], [sflag:$0x1], $0x280, $0x38;
	[tilespmem:$0xE00] =	vst v63  }
0x33: {  	_ =	swait.ge [sflag:s9], $0x280  }
0x34: {  	[sflag:s9] =	ssyncset.done $0x0  }
0x35: {  	s4 =	sadd.s32 s2, s5;
	[sflag:s9] =	ssyncadd.s32 $0xFFFFFD80  }
0x36: {  	[spmem:s4] =	stream.linear.scatter [tilespmem:s10], [sflag:$0x1], $0x280, $0x38;
	[tilespmem:$0xE00] =	vst v63  }
0x37: {  	s11 =	smul.u32 $0x9E0, s1;
	_ =	swait.ge [sflag:s9], $0x280  }
0x38: {  	s26 =	sadd.s32 $0x33600, s3;
	[sflag:s9] =	ssyncset.done $0x0  }
0x39: {  	s13 =	sadd.s32 s11, s26;
	[sflag:s9] =	ssyncadd.s32 $0xFFFFFD80  }
0x3a: {  	s10 =	sadd.s32 $0x0, s13;
	[bflag:$0x0] =	sbarrier.arrive $0xFFFF  }
0x3b: {  	[tilespmem:s7], [sflag:$0x1] =	stream.linear.gather [hbm4b:s10+s7], $0x80, $0x38;
	[tilespmem:$0xE00] =	vst v63  }
0x3c: {  	s28 =	sadd.s32 $0x47200, s3;
	_ =	swait.ge [sflag:s9], $0x80  }
0x3d: {  	s12 =	sadd.s32 s11, s28;
	[sflag:s9] =	ssyncset.done $0x0  }
0x3e: {  	s14 =	sadd.s32 $0x0, s12;
	s10 =	simm.s32 $0x80;
	[sflag:s9] =	ssyncadd.s32 $0xFFFFFF80  }
0x3f: {  	[tilespmem:s10], [sflag:$0x1] =	stream.linear.gather [hbm4b:s14+s7], $0x80, $0x38;
	[tilespmem:$0xE00] =	vst v63  }
0x40: {  	s29 =	sadd.s32 $0x5AE00, s3;
	_ =	swait.ge [sflag:s9], $0x80  }
0x41: {  	s14 =	sadd.s32 s11, s29;
	[sflag:s9] =	ssyncset.done $0x0  }
0x42: {  	s11 =	simm.s32 $0x100;
	s15 =	sadd.s32 $0x0, s14;
	[sflag:s9] =	ssyncadd.s32 $0xFFFFFF80  }
0x43: {  	[tilespmem:s11], [sflag:$0x1] =	stream.linear.gather [hbm4b:s15+s7], $0x80, $0x38;
	[tilespmem:$0xE00] =	vst v63  }
0x44: {  	_ =	swait.ge [sflag:s9], $0x80  }
0x45: {  	[sflag:s9] =	ssyncset.done $0x0  }
0x46: {  	[sflag:s9] =	ssyncadd.s32 $0xFFFFFF80  }
0x47: {  	[spmem:s6] =	stream.indirect.scatter.add.f32 [tilespmem:s11], [sflag:$0x1], $0x1, s7, s10, $0xb8;
	[tilespmem:$0xE00] =	vst v63  }
0x48: {  	_ =	swait.ge [sflag:s9], $0x80  }
0x49: {  	[sflag:s9] =	ssyncset.done $0x0  }
0x4a: {  	s30 =	smul.u32 $0xA0, s1;
	[sflag:s9] =	ssyncadd.s32 $0xFFFFFF80  }
0x4b: {  	[spmem:s5] =	stream.indirect.scatter.add.f32 [tilespmem:s11], [sflag:$0x1], $0x1, s10, s10, $0xb8;
	[tilespmem:$0xE00] =	vst v63  }
0x4c: {  	s16 =	simm.s32 $0x20;
	s31 =	sadd.s32 s30, s3;
	_ =	swait.ge [sflag:s9], $0x80  }
0x4d: {  	s3 =	sadd.s32 $0x64C00, s31;
	s15 =	simm.s32 $0x10;
	[sflag:s9] =	ssyncset.done $0x0  }
.LBB2_2:
0x4e: {  	s17 =	sadd.s32 s15, s13  }
0x4f: {  	[sflag:s9] =	ssyncadd.s32 $0xFFFFFF80;
	s18 =	smov.u32 s16;
	s19 =	sadd.s32 $0x10, s16  }
0x50: {  	[tilespmem:s7], [sflag:$0x1] =	stream.linear.gather [hbm4b:s17+s7], $0x80, $0x38;
	[tilespmem:$0xE00] =	vst v63  }
0x51: {  	p0 =	sne.s32 s16, $0x9D0;
	_ =	swait.ge [sflag:s9], $0x80  }
0x52: {  	[sflag:s9] =	ssyncset.done $0x0  }
0x53: {  	s16 =	sadd.s32 s15, s12;
	[sflag:s9] =	ssyncadd.s32 $0xFFFFFF80  }
0x54: {  	[tilespmem:s10], [sflag:$0x1] =	stream.linear.gather [hbm4b:s16+s7], $0x80, $0x38;
	[tilespmem:$0xE00] =	vst v63  }
0x55: {  	_ =	swait.ge [sflag:s9], $0x80  }
0x56: {  	[sflag:s9] =	ssyncset.done $0x0  }
0x57: {  	s16 =	sadd.s32 s15, s14;
	s15 =	smov.u32 s18;
	[sflag:s9] =	ssyncadd.s32 $0xFFFFFF80  }
0x58: {  	[tilespmem:s11], [sflag:$0x1] =	stream.linear.gather [hbm4b:s16+s7], $0x80, $0x38;
	[tilespmem:$0xE00] =	vst v63  }
0x59: {  	_ =	swait.ge [sflag:s9], $0x80  }
0x5a: {  	[sflag:s9] =	ssyncset.done $0x0  }
0x5b: {  	[sflag:s9] =	ssyncadd.s32 $0xFFFFFF80  }
0x5c: {  	[spmem:s6] =	stream.indirect.scatter.add.f32 [tilespmem:s11], [sflag:$0x1], $0x1, s7, s10, $0xb8;
	[tilespmem:$0xE00] =	vst v63  }
0x5d: {  	_ =	swait.ge [sflag:s9], $0x80  }
.Ltmp1:
0x5e: {  	[sflag:s9] =	ssyncset.done $0x0;
	(pc) =	sbr.rel @p0 .LBB2_2-.Ltmp1, $4  }
0x5f: {  	[sflag:s9] =	ssyncadd.s32 $0xFFFFFF80  }
0x60: {  	[spmem:s5] =	stream.indirect.scatter.add.f32 [tilespmem:s11], [sflag:$0x1], $0x1, s10, s10, $0xb8;
	[tilespmem:$0xE00] =	vst v63  }
0x61: {  	_ =	swait.ge [sflag:s9], $0x80  }
0x62: {  	s16 =	smov.u32 s19;
	[sflag:s9] =	ssyncset.done $0x0  }
0x63: {  	s13 =	sadd.s32 s15, s13;
	[sflag:s9] =	ssyncadd.s32 $0xFFFFFF80  }
0x64: {  	[tilespmem:s7], [sflag:$0x1] =	stream.linear.gather [hbm4b:s13+s7], $0x80, $0x38;
	[tilespmem:$0xE00] =	vst v63  }
0x65: {  	_ =	swait.ge [sflag:s9], $0x80  }
0x66: {  	[sflag:s9] =	ssyncset.done $0x0  }
0x67: {  	s12 =	sadd.s32 s15, s12;
	[sflag:s9] =	ssyncadd.s32 $0xFFFFFF80  }
0x68: {  	[tilespmem:s10], [sflag:$0x1] =	stream.linear.gather [hbm4b:s12+s7], $0x80, $0x38;
	[tilespmem:$0xE00] =	vst v63  }
0x69: {  	_ =	swait.ge [sflag:s9], $0x80  }
0x6a: {  	[sflag:s9] =	ssyncset.done $0x0  }
0x6b: {  	s25 =	sadd.s32 s15, s14;
	[sflag:s9] =	ssyncadd.s32 $0xFFFFFF80  }
0x6c: {  	[tilespmem:s11], [sflag:$0x1] =	stream.linear.gather [hbm4b:s25+s7], $0x80, $0x38;
	[tilespmem:$0xE00] =	vst v63  }
0x6d: {  	_ =	swait.ge [sflag:s9], $0x80  }
0x6e: {  	[sflag:s9] =	ssyncset.done $0x0  }
0x6f: {  	[sflag:s9] =	ssyncadd.s32 $0xFFFFFF80  }
0x70: {  	[spmem:s6] =	stream.indirect.scatter.add.f32 [tilespmem:s11], [sflag:$0x1], $0x1, s7, s10, $0xb8;
	[tilespmem:$0xE00] =	vst v63  }
0x71: {  	_ =	swait.ge [sflag:s9], $0x80  }
0x72: {  	[sflag:s9] =	ssyncset.done $0x0  }
0x73: {  	[sflag:s9] =	ssyncadd.s32 $0xFFFFFF80  }
0x74: {  	[spmem:s5] =	stream.indirect.scatter.add.f32 [tilespmem:s11], [sflag:$0x1], $0x1, s10, s10, $0xb8;
	[tilespmem:$0xE00] =	vst v63  }
0x75: {  	_ =	swait.ge [sflag:s9], $0x80  }
0x76: {  	[sflag:s9] =	ssyncset.done $0x0  }
0x77: {  	[sflag:s9] =	ssyncadd.s32 $0xFFFFFF80  }
0x78: {  	s26 =	simm.s32 $0x180;
	s28 =	simm.s32 $0x1;
	[bflag:$0x0] =	sbarrier.arrive $0xFFFF  }
0x79: {  	[tilespmem:s26], [sflag:$0x1] =	stream.linear.gather [spmem:s8], $0x280, $0x38;
	[tilespmem:$0xE00] =	vst v63  }
0x7a: {  	_ =	swait.ge [sflag:s28], $0x280  }
0x7b: {  	[sflag:s28] =	ssyncset.done $0x0  }
0x7c: {  	[sflag:s28] =	ssyncadd.s32 $0xFFFFFD80  }
0x7d: {  	v0 =	vld [tilespmem:s26+$0x0];
	_ =	sdelay $0x4  }
0x7e: {  	(erf) = vrcp.f32 v0;
	_ =	sdelay $0x7  }
0x7f: {  	s29 =	sadd.s32 $0x0, s2;
	s5 =	simm.s32 $0x0  }
0x80: {  	p0 =	slt.u32 s29, $0x2710;
	s30 =	sand.u32 $0x70, s5;
	s31 =	sand.u32 $0x700, s5;
	v0 =	vpop (erf)  }
0x81: {  	s6 =	sor.u32 s30, s31;
	v0 =	vpsel !p0, $0x0, v0  }
0x82: {  	[tilespmem:s6+$0x400] =	vst v0;
	s6 =	simm.s32 $0x190  }
0x83: {  	s7 =	simm.s32 $0x20;
	s8 =	simm.s32 $0x10;
	v0 =	vld [tilespmem:s6+$0x0]  }
.LBB2_4:
0x84: {  	p0 =	sne.s32 s7, $0x270;
	_ =	sdelay $0x3  }
0x85: {  	(erf) = vrcp.f32 v0;
	_ =	sdelay $0x7  }
.Ltmp2:
0x86: {  	s9 =	sadd.s32 s8, s2;
	s5 =	sadd.s32 $0x20, s5;
	(pc) =	sbr.rel @p0 .LBB2_4-.Ltmp2, $4  }
0x87: {  	s8 =	sand.u32 $0x70, s8;
	p1 =	slt.u32 s9, $0x2710;
	s9 =	sand.u32 $0x700, s5;
	v0 =	vpop (erf)  }
0x88: {  	s9 =	sor.u32 s8, s9;
	s8 =	smov.u32 s7;
	v0 =	vpsel !p1, $0x0, v0  }
0x89: {  	s6 =	sadd.s32 $0x10, s6;
	[tilespmem:s9+$0x400] =	vst v0  }
0x8a: {  	s7 =	sadd.s32 $0x10, s7;
	v0 =	vld [tilespmem:s6+$0x0]  }
0x8b: {  	_ =	sdelay $0x3  }
0x8c: {  	(erf) = vrcp.f32 v0;
	_ =	sdelay $0x7  }
0x8d: {  	s6 =	sadd.s32 s8, s2;
	s5 =	sadd.s32 $0x20, s5  }
0x8e: {  	s7 =	sand.u32 $0x70, s8;
	p0 =	slt.u32 s6, $0x2710;
	s5 =	sand.u32 $0x700, s5;
	v0 =	vpop (erf)  }
0x8f: {  	s5 =	sor.u32 s7, s5;
	v0 =	vpsel !p0, $0x0, v0  }
0x90: {  	s26 =	simm.s32 $0x180;
	s28 =	simm.s32 $0x1;
	[tilespmem:s5+$0x400] =	vst v0  }
0x91: {  	[tilespmem:s26], [sflag:$0x1] =	stream.linear.gather [spmem:s4], $0x280, $0x38;
	[tilespmem:$0xE00] =	vst v63  }
0x92: {  	_ =	swait.ge [sflag:s28], $0x280  }
0x93: {  	[sflag:s28] =	ssyncset.done $0x0  }
0x94: {  	[sflag:s28] =	ssyncadd.s32 $0xFFFFFD80  }
0x95: {  	v0 =	vld [tilespmem:s26+$0x0];
	_ =	sdelay $0x4  }
0x96: {  	(erf) = vrcp.f32 v0;
	_ =	sdelay $0x7  }
0x97: {  	s29 =	sadd.s32 $0x0, s2;
	s4 =	simm.s32 $0x0  }
0x98: {  	p6 =	slt.u32 s29, $0x2710;
	s30 =	sand.u32 $0x70, s4;
	s31 =	sand.u32 $0x700, s4;
	v0 =	vpop (erf)  }
0x99: {  	s5 =	sor.u32 s30, s31;
	v0 =	vpsel !p6, $0x0, v0  }
0x9a: {  	[tilespmem:s5+$0x480] =	vst v0;
	s5 =	simm.s32 $0x190  }
0x9b: {  	s6 =	simm.s32 $0x20;
	s7 =	simm.s32 $0x10;
	v0 =	vld [tilespmem:s5+$0x0]  }
.LBB2_6:
0x9c: {  	p0 =	sne.s32 s6, $0x270;
	_ =	sdelay $0x3  }
0x9d: {  	(erf) = vrcp.f32 v0;
	_ =	sdelay $0x7  }
.Ltmp3:
0x9e: {  	s8 =	sadd.s32 s7, s2;
	s4 =	sadd.s32 $0x20, s4;
	(pc) =	sbr.rel @p0 .LBB2_6-.Ltmp3, $4  }
0x9f: {  	s7 =	sand.u32 $0x70, s7;
	p1 =	slt.u32 s8, $0x2710;
	s8 =	sand.u32 $0x700, s4;
	v0 =	vpop (erf)  }
0xa0: {  	s8 =	sor.u32 s7, s8;
	s7 =	smov.u32 s6;
	v0 =	vpsel !p1, $0x0, v0  }
0xa1: {  	s5 =	sadd.s32 $0x10, s5;
	[tilespmem:s8+$0x480] =	vst v0  }
0xa2: {  	s6 =	sadd.s32 $0x10, s6;
	v0 =	vld [tilespmem:s5+$0x0]  }
0xa3: {  	_ =	sdelay $0x3  }
0xa4: {  	(erf) = vrcp.f32 v0;
	_ =	sdelay $0x7  }
0xa5: {  	s2 =	sadd.s32 s7, s2;
	s4 =	sadd.s32 $0x20, s4  }
0xa6: {  	s5 =	sand.u32 $0x70, s7;
	p0 =	slt.u32 s2, $0x2710;
	s28 =	sand.u32 $0x700, s4;
	v0 =	vpop (erf)  }
0xa7: {  	s2 =	sor.u32 s5, s28;
	v0 =	vpsel !p0, $0x0, v0  }
0xa8: {  	s29 =	simm.s32 $0x0;
	s30 =	simm.s32 $0x400;
	s31 =	simm.s32 $0x1;
	[tilespmem:s2+$0x480] =	vst v0  }
0xa9: {  	[hbm4b:s3+s29] =	stream.linear.scatter [tilespmem:s30], [sflag:$0x1], $0x500, $0x38;
	[tilespmem:$0xE00] =	vst v63  }
0xaa: {  	_ =	swait.ge [sflag:s31], $0x500  }
0xab: {  	[sflag:s31] =	ssyncset.done $0x0  }
0xac: {  	[sflag:s31] =	ssyncadd.s32 $0xFFFFFB00  }
.LBB2_8:
0xad: {  	_ =	sfence.sel $0x180000  }
0xae: {  	[bflag:$0x0] =	sbarrier.arrive $0xFFFF  }
0xaf: {  	p0 =	sne.s32 s1, $0x0;
	_ =	strace $0x90000053  }
0xb0: {  	s0 =	sadd.s32 @!p0 $0x100000, s0;
	[bflag:$0x2] =	sbarrier.arrive $0xFFFF  }
0xb1: {  	[sflag:s0] =	ssyncadd.tile.s32 @!p0 $0x1;
	_ =	shalt  }
.Lfunc_end2:
_tile_overlayer_lowered:
.L_overlay_start_2:
0xb2: {  	(tag) =	ssettag $0x2  }
0xb3: {  	s0 =	rddreg [dreg:$0x0];
	s2 =	stileid.u32  }
0xb4: {  	s1 =	rddreg [dreg:$0x1];
	p0 =	sne.s32 s2, $0x0  }
0xb5: {  	s3 =	rddreg [dreg:$0x2];
	[bflag:$0x3] =	sbarrier.arrive $0xFFFF;
	s2 =	simm.s32 @!p0 $0x1C01  }
0xb6: {  	[timem:s3], [sflag:s2] =	dma.local @!p0 [hbm:s0], s1  }
0xb7: {  	s0 =	simm.s32 @!p0 $0x1  }
0xb8: {  	_ =	swait.ge @!p0 [sflag:s0], s1  }
0xb9: {  	s1 =	ssub.s32 @!p0 $0x0, s1;
	[sflag:s0] =	ssyncset.done @!p0 $0x0  }
0xba: {  	[sflag:s0] =	ssyncadd.s32 @!p0 s1  }
0xbb: {  	[bflag:$0x3] =	sbarrier.arrive $0xFFFF  }
0xbc: {  	_ =	shalt  }

// kernel: kernel.8.cloned.1.call-start
scs
__scs_entry_jumppad:
0x0: {  	(pc) =	sbr.rel $0x88, $3  }
0x1: {  	(tag) =	ssettag $0x0;
	lr =	simm.s32 $0x1  }
0x2: {  	[smem:$0x3F98] =	sst lr;
	_ =	strace $0xD0000000  }
0x3: {  	_ = 	snop  }
0x4: {  	_ = 	snop  }
0x5: {  	_ = 	snop  }
0x6: {  	_ = 	snop  }
0x7: {  	_ = 	snop  }
__scs_overlays_trampoline_lowered:
0x8: {  	[smem:$0x3FA7] =	sst s0  }
0x9: {  	[smem:$0x3FA8] =	sst s1  }
0xa: {  	[smem:$0x3FA9] =	sst s2  }
0xb: {  	[smem:$0x3FAA] =	sst s3  }
0xc: {  	[smem:$0x3FAB] =	sst s4  }
0xd: {  	[smem:$0x3FAC] =	sst s5  }
0xe: {  	[smem:$0x3FAD] =	sst s6  }
0xf: {  	[smem:$0x3FAE] =	sst s7  }
0x10: {  	[smem:$0x3FAF] =	sst s8  }
0x11: {  	[smem:$0x3FB0] =	sst s9;
	s0 =	simm.s32 @!p0 $0x0  }
0x12: {  	s1 =	sld [smem:$0x3F96];
	s0 =	simm.s32 @p0 $0x1  }
0x13: {  	[smem:$0x3FB1] =	sst s0;
	s0 =	simm.s32 @!p1 $0x0  }
0x14: {  	s2 =	sld [smem:$0x3F95];
	s0 =	simm.s32 @p1 $0x1  }
0x15: {  	[smem:$0x3FB2] =	sst s0;
	s0 =	simm.s32 @!p2 $0x0  }
0x16: {  	s3 =	sld [smem:$0x3FDB];
	s0 =	simm.s32 @p2 $0x1  }
0x17: {  	s4 =	simm.s32 $0x1BF5;
	[smem:$0x3FB4] =	sst s0  }
0x18: {  	s0 =	sld [smem:$0x3F97];
	_ =	swait.ge [sflag:s4], $0x0  }
0x19: {  	s7 =	sld [smem:$0x3F98]  }
0x1a: {  	s8 =	sadd.s32 $0xFFFFE003, lr  }
0x1b: {  	s9 =	sadd.s32 $0xFFFFFEF7, lr;
	s5 =	simm.s32 $0xFFFFFFFF;
	p2 =	slt.u32 s8, $0xFFFFF086  }
0x1c: {  	p1 =	slt.u32 s9, $0xF7A;
	s5 =	simm.s32 @!p2 $0x0  }
0x1d: {  	s5 =	simm.s32 @p1 $0x1;
	p0 =	seq.s32 s7, s2  }
0x1e: {  	s7 =	smul.u32 @!p0 $0xF7A, s2;
	p2 =	seq.s32 @!p0 s5, $0x0  }
0x1f: {  	s9 =	smul.u32 $0xF7A, s1;
	s8 =	simm.s32 @!p0 $0x1BF5;
	p2 =	por !p2, p0  }
0x20: {  	[sflag:s8] =	ssyncset.s32 @!p0 $0xFFFFF086;
	s6 =	sadd.s32 @!p0 s3, s7;
	s7 =	simm.s32 @!p0 $0x108  }
0x21: {  	s3 =	sadd.s32 s3, s9;
	s6 =	sadd.s32 @!p0 $0x88, s6;
	s7 =	simm.s32 @p2 $0x1082  }
0x22: {  	[simem:s7], [sflag:s8] =	dma.local @!p0 [hbm:s6], $0xF7A  }
0x23: {  	s9 =	sor.u32 $0xD0000000, s2;
	s6 =	simm.s32 $0x108;
	_ =	swait.ge @!p0 [sflag:s8], $0x0  }
0x24: {  	s3 =	sadd.s32 $0x88, s3;
	s6 =	simm.s32 @!p1 $0x1082;
	[sflag:s4] =	ssyncset.s32 $0xFFFFF086  }
0x25: {  	[simem:s6], [sflag:s4] =	dma.local [hbm:s3], $0xF7A  }
0x26: {  	[smem:$0x3F98] =	sst s1;
	(tag) =	ssettag s2;
	_ =	strace s9  }
0x27: {  	s1 =	sld [smem:$0x3FA8]  }
0x28: {  	s2 =	sld [smem:$0x3FA9]  }
0x29: {  	s4 =	sld [smem:$0x3FAB]  }
0x2a: {  	p0 =	seq.s32 s5, $0x0;
	s5 =	sld [smem:$0x3FAC]  }
0x2b: {  	s6 =	sld [smem:$0x3FAD]  }
0x2c: {  	s7 =	sld [smem:$0x3FAE]  }
0x2d: {  	s3 =	simm.s32 $0x108;
	s8 =	sld [smem:$0x3FAF]  }
0x2e: {  	s3 =	simm.s32 @!p0 $0x1082;
	s9 =	sld [smem:$0x3FB0]  }
0x2f: {  	lr =	sadd.s32 s0, s3;
	s0 =	sld [smem:$0x3FA7]  }
0x30: {  	s3 =	sld [smem:$0x3FAA]  }
0x31: {  	[smem:$0x3FB3] =	sst s10  }
0x32: {  	s10 =	sld [smem:$0x3FB1];
	_ =	sdelay $0x3  }
0x33: {  	p0 =	seq.s32 s10, $0x1;
	s10 =	sld [smem:$0x3FB3];
	_ =	sdelay $0x3  }
0x34: {  	[smem:$0x3FB3] =	sst s10  }
0x35: {  	s10 =	sld [smem:$0x3FB2];
	_ =	sdelay $0x3  }
0x36: {  	p1 =	seq.s32 s10, $0x1;
	s10 =	sld [smem:$0x3FB3];
	_ =	sdelay $0x3  }
0x37: {  	[smem:$0x3FB3] =	sst s10  }
0x38: {  	s10 =	sld [smem:$0x3FB4]  }
0x39: {  	_ = 	snop;
	(pc) =	sbr.ind lr, $3  }
0x3a: {  	_ = 	snop  }
0x3b: {  	_ = 	snop  }
0x3c: {  	p2 =	seq.s32 s10, $0x1;
	s10 =	sld [smem:$0x3FB3]  }
0x3d: {  	_ =	shalt  }
0x3e: {  	_ =	shalt  }
0x3f: {  	_ =	shalt  }
0x40: {  	_ =	shalt  }
0x41: {  	_ =	shalt  }
0x42: {  	_ =	shalt  }
0x43: {  	_ =	shalt  }
0x44: {  	_ =	shalt  }
0x45: {  	_ =	shalt  }
0x46: {  	_ =	shalt  }
0x47: {  	_ =	shalt  }
0x48: {  	_ =	shalt  }
0x49: {  	_ =	shalt  }
0x4a: {  	_ =	shalt  }
0x4b: {  	_ =	shalt  }
0x4c: {  	_ =	shalt  }
0x4d: {  	_ =	shalt  }
0x4e: {  	_ =	shalt  }
0x4f: {  	_ =	shalt  }
0x50: {  	_ =	shalt  }
0x51: {  	_ =	shalt  }
0x52: {  	_ =	shalt  }
0x53: {  	_ =	shalt  }
0x54: {  	_ =	shalt  }
0x55: {  	_ =	shalt  }
0x56: {  	_ =	shalt  }
0x57: {  	_ =	shalt  }
0x58: {  	_ =	shalt  }
0x59: {  	_ =	shalt  }
0x5a: {  	_ =	shalt  }
0x5b: {  	_ =	shalt  }
0x5c: {  	_ =	shalt  }
0x5d: {  	_ =	shalt  }
0x5e: {  	_ =	shalt  }
0x5f: {  	_ =	shalt  }
0x60: {  	_ =	shalt  }
0x61: {  	_ =	shalt  }
0x62: {  	_ =	shalt  }
0x63: {  	_ =	shalt  }
0x64: {  	_ =	shalt  }
0x65: {  	_ =	shalt  }
0x66: {  	_ =	shalt  }
0x67: {  	_ =	shalt  }
0x68: {  	_ =	shalt  }
0x69: {  	_ =	shalt  }
0x6a: {  	_ =	shalt  }
0x6b: {  	_ =	shalt  }
0x6c: {  	_ =	shalt  }
0x6d: {  	_ =	shalt  }
0x6e: {  	_ =	shalt  }
0x6f: {  	_ =	shalt  }
0x70: {  	_ =	shalt  }
0x71: {  	_ =	shalt  }
0x72: {  	_ =	shalt  }
0x73: {  	_ =	shalt  }
0x74: {  	_ =	shalt  }
0x75: {  	_ =	shalt  }
0x76: {  	_ =	shalt  }
0x77: {  	_ =	shalt  }
0x78: {  	_ =	shalt  }
0x79: {  	_ =	shalt  }
0x7a: {  	_ =	shalt  }
0x7b: {  	_ =	shalt  }
0x7c: {  	_ =	shalt  }
0x7d: {  	_ =	shalt  }
0x7e: {  	_ =	shalt  }
0x7f: {  	_ =	shalt  }
0x80: {  	_ =	shalt  }
0x81: {  	_ =	shalt  }
0x82: {  	_ =	shalt  }
0x83: {  	_ =	shalt  }
0x84: {  	_ =	shalt  }
0x85: {  	_ =	shalt  }
0x86: {  	_ =	shalt  }
0x87: {  	_ =	shalt  }
.Lfunc_end0:
.L_simem_size_0:
called_computation.5_lowered:
.L_overlay_start_0:
0x88: {  	s2 =	sld [smem:$0x3FD9]  }
0x89: {  	s3 =	sld [smem:$0x3FFE];
	_ =	sdelay $0x1  }
0x8a: {  	s1 =	srdreg.scid  }
0x8b: {  	s0 =	sand.u32 $0x1, s1  }
0x8c: {  	s17 =	sshll.u32 s0, $0xA;
	s2 =	sadd.s32 s3, s2  }
0x8d: {  	s2 =	sadd.s32 s2, s17  }
0x8e: {  	[smem:$0x3FBF] =	sst s2  }
0x8f: {  	_ = 	snop  }
0x90: {  	s2 =	sld [smem:$0x3FD0];
	(tm) =	ssettm $0x1  }
0x91: {  	s18 =	sld [smem:$0x3FFB];
	_ =	sdelay $0x3  }
0x92: {  	_ =	strace s18  }
0x93: {  	s3 =	sld [smem:$0x3FFC];
	_ =	sdelay $0x3  }
0x94: {  	_ =	strace s3  }
0x95: {  	s3 =	sld [smem:$0x3FFD];
	_ =	sdelay $0x3  }
0x96: {  	_ =	strace s3  }
0x97: {  	_ =	strace $0x8FFFFFFF  }
0x98: {  	s19 =	sld [smem:$0x3FDB];
	_ =	sdelay $0x1  }
0x99: {  	s4 =	simm.s32 $_scs_section_size  }
0x9a: {  	s5 =	simm.s32 $_size__tile_overlayer_lowered;
	s6 =	simm.s32 $_tile_overlayer_lowered  }
0x9b: {  	s22 =	simm.s32 $0x1BFF;
	s21 =	sshll.u32 s6, $0x1;
	s3 =	sadd.s32 s4, s19  }
0x9c: {  	s7 =	simm.s32 $0x0;
	s20 =	sshll.u32 s5, $0x1;
	s5 =	sadd.s32 s21, s3  }
0x9d: {  	[timem:s7], [sflag:s22] =	dma.local [hbm:s5], s20  }
0x9e: {  	_ =	swait.ge [sflag:s22], s20  }
0x9f: {  	s4 =	ssub.s32 $0x0, s20;
	[sflag:s22] =	ssyncset.done $0x0  }
0xa0: {  	[sflag:s22] =	ssyncadd.s32 s4;
	_ =	sdelay $0x1  }
0xa1: {  	s23 =	simm.s32 $0x1B8B  }
0xa2: {  	_ =	swait.ge [sflag:s23], $0x1  }
0xa3: {  	[sflag:s23] =	ssyncset.done $0x0  }
0xa4: {  	s25 =	simm.s32 $0x1B8E;
	s24 =	sld [smem:$0x3FFE];
	[sflag:s23] =	ssyncadd.s32 $0xFFFFFFFF  }
0xa5: {  	s26 =	simm.s32 $execute0_lowered;
	[smem:$0x3FD2] =	sst s25  }
0xa6: {  	s5 =	sshll.u32 s26, $0x1;
	_ =	strace $0x80000055;
	[dreg:$0x1] =	wrdreg $0xFFFFFFFF  }
0xa7: {  	s28 =	simm.s32 $_size_execute0_lowered;
	s3 =	sadd.s32 s3, s5;
	[dreg:$0x0] =	wrdreg $0x0  }
0xa8: {  	s5 =	sshll.u32 s28, $0x1;
	[dreg:$0x2] =	wrdreg s3  }
0xa9: {  	[dreg:$0x3] =	wrdreg s5  }
0xaa: {  	[dreg:$0x4] =	wrdreg $0xC0  }
0xab: {  	_ =	task [dreg:s7], $0x5FFFF  }
0xac: {  	[dreg:$0x1] =	wrdreg $0xFFFFFFFF  }
0xad: {  	[dreg:$0x0] =	wrdreg $0x60  }
0xae: {  	[dreg:$0x2] =	wrdreg s24  }
0xaf: {  	[dreg:$0x3] =	wrdreg s2  }
0xb0: {  	[dreg:$0x4] =	wrdreg $0xAA000  }
0xb1: {  	[dreg:$0x5] =	wrdreg $0x9  }
0xb2: {  	_ =	task.clear_ibuf [dreg:s7], $0x6FFFF;
	_ =	strace $0x90000055  }
0xb3: {  	s29 =	simm.s32 $0x9;
	_ =	strace $0x80000057  }
0xb4: {  	_ =	swait.ge [sflag:s29], $0x1  }
0xb5: {  	[sflag:s29] =	ssyncadd.s32 $0xFFFFFFFF  }
0xb6: {  	_ =	strace $0x90000057  }
0xb7: {  	_ =	sfence  }
0xb8: {  	s30 =	sld [smem:$0x0];
	_ =	sdelay $0x2  }
0xb9: {  	s31 =	sshll.u32 s1, $0xD;
	s1 =	sshrl.u32 s1, $0x2  }
0xba: {  	s3 =	sand.u32 $0x4000, s31;
	s1 =	sadd.s32 s1, s30  }
0xbb: {  	s0 =	sor.u32 s3, s0;
	s1 =	sshll.u32 s1, $0x11  }
0xbc: {  	s0 =	sor.u32 s1, s0  }
0xbd: {  	s0 =	sadd.s32 $0x8F2B, s0  }
0xbe: {  	[sflag:s0] =	ssyncadd.remote.s32 $0x1  }
0xbf: {  	_ =	sfence.sel $0xFFFF  }
0xc0: {  	[dreg:$0x0] =	wrdreg $0xFFFFFFFF;
	(pc) =	sbr.abs _section_cstart, $3  }
0xc1: {  	[dreg:$0x1] =	wrdreg $0xFFFFFFFF  }
0xc2: {  	_ =	task.clear_ibuf [dreg:s7], $0x2FFFF;
	_ =	strace $0x9FFFFFFF  }
0xc3: {  	(tm) =	ssettm $0x7FFFFFFF  }
tec
execute0_lowered:
.L_overlay_start_1:
0x0: {  	(tag) =	ssettag $0x1  }
0x1: {  	s0 =	rddreg [dreg:$0x0]  }
0x2: {  	s1 =	rddreg [dreg:$0x1]  }
0x3: {  	s2 =	rddreg [dreg:$0x2];
	s3 =	srdreg.scid;
	s5 =	simm.s32 $0x0  }
0x4: {  	s25 =	stileid.u32;
	s17 =	simm.s32 $0x80;
	s18 =	simm.s32 $0x100  }
0x5: {  	s19 =	simm.s32 $0x2;
	s20 =	simm.s32 $0x6A00;
	s21 =	simm.s32 $0x2800  }
0x6: {  	s22 =	simm.s32 $0x2880;
	s23 =	simm.s32 $0x2900;
	s24 =	simm.s32 $0x2A00  }
0x7: {  	s28 =	simm.s32 $0x0;
	s29 =	simm.s32 $0x0;
	s9 =	smul.u32 $0x14000, s25  }
0x8: {  	s4 =	sand.u32 $0x1, s3;
	[smem:$0x7FF] =	sst s5;
	s11 =	smul.u32 $0x50000, s25  }
0x9: {  	s5 =	sadd.s32 $0x65600, s0;
	s6 =	sadd.s32 $0x2000, s0;
	s14 =	smul.u32 $0x4F00, s25  }
0xa: {  	s7 =	sadd.s32 $0x8D600, s0;
	s25 =	simm.s32 $0x1;
	s8 =	smul.u32 $0x140000, s4  }
0xb: {  	_ =	strace $0x80000056;
	s10 =	sshll.u32 s4, $0x4;
	s26 =	ssub.s32 $0x2, s4  }
0xc: {  	s4 =	smul.u32 $0x4F000, s4;
	s10 =	sadd.s32 s10, s0;
	s30 =	sshrl.u32 s26, $0x1  }
0xd: {  	s31 =	sshrl.u32 s11, $0x2;
	s8 =	sadd.s32 s9, s8;
	s16 =	ssub.s32 s26, s30  }
0xe: {  	s9 =	sadd.s32 s31, s2;
	s14 =	sadd.s32 s14, s4;
	s26 =	simm.s32 $0x2980  }
0xf: {  	s8 =	sshrl.u32 s8, $0x3;
	s11 =	sadd.s32 $0x8000, s9;
	s12 =	sadd.s32 $0xC000, s9  }
0x10: {  	s13 =	sadd.s32 $0x10000, s9;
	s16 =	smax.u32 s16, $0x1;
	s0 =	sadd.s32 s8, s0  }
0x11: {  	v0 =	vimm.f32 $0.0e+00;
	s8 =	sadd.s32 $0x64C00, s10;
	s10 =	sadd.s32 $0x4000, s9;
	s15 =	sadd.s32 $0xA1200, s0  }
.LBB2_1:
0x12: {  	s0 =	simm.s32 $0x0  }
0x13: {  	[tilespmem:s0], [sflag:$0x2] =	stream.strided.gather [hbm4b:s8+s17], $0x2800, s18, s17, $0x38;
	[tilespmem:$0x1EA00] =	vst v63  }
0x14: {  	_ =	swait.ge [sflag:s19], $0x2800  }
0x15: {  	[sflag:s19] =	ssyncset.done $0x0  }
0x16: {  	s4 =	simm.s32 $0x200;
	s0 =	simm.s32 $0x0;
	[sflag:s19] =	ssyncadd.s32 $0xFFFFD800  }
.LBB2_2:
0x17: {  	p0 =	sne.s32 s4, $0xFE00;
	[tilespmem:s0+$0x6A70] =	vst v0  }
0x18: {  	[tilespmem:s0+$0x6A00] =	vst v0  }
0x19: {  	[tilespmem:s0+$0x6A10] =	vst v0  }
.Ltmp0:
0x1a: {  	[tilespmem:s0+$0x6A20] =	vst v0;
	(pc) =	sbr.rel @p0 .LBB2_2-.Ltmp0, $4  }
0x1b: {  	[tilespmem:s0+$0x6A30] =	vst v0  }
0x1c: {  	[tilespmem:s0+$0x6A40] =	vst v0  }
0x1d: {  	[tilespmem:s0+$0x6A50] =	vst v0  }
0x1e: {  	[tilespmem:s0+$0x6A60] =	vst v0;
	s0 =	sshra.s32 s4, $0x2;
	s4 =	sadd.s32 $0x200, s4  }
0x1f: {  	[tilespmem:s0+$0x6A70] =	vst v0  }
0x20: {  	[tilespmem:s0+$0x6A00] =	vst v0  }
0x21: {  	[tilespmem:s0+$0x6A10] =	vst v0  }
0x22: {  	[tilespmem:s0+$0x6A20] =	vst v0  }
0x23: {  	[tilespmem:s0+$0x6A30] =	vst v0  }
0x24: {  	[tilespmem:s0+$0x6A40] =	vst v0  }
0x25: {  	[tilespmem:s0+$0x6A50] =	vst v0  }
0x26: {  	[tilespmem:s0+$0x6A60] =	vst v0  }
0x27: {  	[spmem:s9] =	stream.linear.scatter [tilespmem:s20], [sflag:$0x2], $0x4000, $0x38;
	[tilespmem:$0x1EA00] =	vst v63  }
0x28: {  	_ =	swait.ge [sflag:s19], $0x4000  }
0x29: {  	[sflag:s19] =	ssyncset.done $0x0  }
0x2a: {  	[sflag:s19] =	ssyncadd.s32 $0xFFFFC000  }
0x2b: {  	[spmem:s10] =	stream.linear.scatter [tilespmem:s20], [sflag:$0x2], $0x4000, $0x38;
	[tilespmem:$0x1EA00] =	vst v63  }
0x2c: {  	_ =	swait.ge [sflag:s19], $0x4000  }
0x2d: {  	[sflag:s19] =	ssyncset.done $0x0  }
0x2e: {  	[sflag:s19] =	ssyncadd.s32 $0xFFFFC000  }
0x2f: {  	[spmem:s11] =	stream.linear.scatter [tilespmem:s20], [sflag:$0x2], $0x4000, $0x38;
	[tilespmem:$0x1EA00] =	vst v63  }
0x30: {  	_ =	swait.ge [sflag:s19], $0x4000  }
0x31: {  	[sflag:s19] =	ssyncset.done $0x0  }
0x32: {  	[sflag:s19] =	ssyncadd.s32 $0xFFFFC000  }
0x33: {  	[spmem:s12] =	stream.linear.scatter [tilespmem:s20], [sflag:$0x2], $0x4000, $0x38;
	[tilespmem:$0x1EA00] =	vst v63  }
0x34: {  	_ =	swait.ge [sflag:s19], $0x4000  }
0x35: {  	[sflag:s19] =	ssyncset.done $0x0  }
0x36: {  	[sflag:s19] =	ssyncadd.s32 $0xFFFFC000  }
0x37: {  	[spmem:s13] =	stream.linear.scatter [tilespmem:s20], [sflag:$0x2], $0x4000, $0x38;
	[tilespmem:$0x1EA00] =	vst v63  }
0x38: {  	_ =	swait.ge [sflag:s19], $0x4000  }
0x39: {  	[sflag:s19] =	ssyncset.done $0x0  }
0x3a: {  	[sflag:s19] =	ssyncadd.s32 $0xFFFFC000  }
0x3b: {  	s30 =	simm.s32 $0x0;
	[bflag:$0x0] =	sbarrier.arrive $0xFFFF  }
.LBB2_4:
0x3c: {  	s0 =	sshll.u32 s30, $0x7  }
0x3d: {  	s0 =	sadd.s32 s0, s14  }
0x3e: {  	s0 =	sshrl.u32 s0, $0x3  }
0x3f: {  	s4 =	sadd.s32 s6, s0  }
0x40: {  	[tilespmem:s21], [sflag:$0x2] =	stream.linear.gather [hbm4b:s4+s29], $0x80, $0x38;
	[tilespmem:$0x1EA00] =	vst v63  }
0x41: {  	_ =	swait.ge [sflag:s19], $0x80  }
0x42: {  	[sflag:s19] =	ssyncset.done $0x0  }
0x43: {  	s3 =	sadd.s32 s7, s0;
	[sflag:s19] =	ssyncadd.s32 $0xFFFFFF80  }
0x44: {  	[tilespmem:s22], [sflag:$0x2] =	stream.linear.gather [hbm4b:s3+s29], $0x80, $0x38;
	[tilespmem:$0x1EA00] =	vst v63  }
0x45: {  	_ =	swait.ge [sflag:s19], $0x80  }
0x46: {  	[sflag:s19] =	ssyncset.done $0x0  }
0x47: {  	s0 =	sadd.s32 s1, s0;
	[sflag:s19] =	ssyncadd.s32 $0xFFFFFF80  }
0x48: {  	[tilespmem:s23], [sflag:$0x2] =	stream.linear.gather [hbm4b:s0+s29], $0x80, $0x38;
	[tilespmem:$0x1EA00] =	vst v63  }
0x49: {  	_ =	swait.ge [sflag:s19], $0x80  }
0x4a: {  	[sflag:s19] =	ssyncset.done $0x0  }
0x4b: {  	[sflag:s19] =	ssyncadd.s32 $0xFFFFFF80  }
0x4c: {  	[tilespmem:s24], [sflag:$0x1] =	stream.indirect.gather [hbm4b:s5+s17], $0x80, s21, s17, $0xb8;
	[tilespmem:$0x1EA00] =	vst v63  }
0x4d: {  	_ =	swait.ge [sflag:s25], $0x4000  }
0x4e: {  	[sflag:s25] =	ssyncset.done $0x0  }
0x4f: {  	[sflag:s25] =	ssyncadd.s32 $0xFFFFC000  }
0x50: {  	v1 =	vld [tilespmem:$0x2900];
	_ =	sdelay $0x5  }
0x51: {  	v2 =	vld [tilespmem:$0x2910];
	_ =	sdelay $0x1  }
0x52: {  	v1 =	vld.idx.msk [tilespmem:v1+s29+$0x0], $0xffff;
	_ =	sdelay $0x3  }
0x53: {  	v3 =	vld [tilespmem:$0x2920]  }
0x54: {  	[tilespmem:$0x2980] =	vst v1  }
0x55: {  	v1 =	vld.idx.msk [tilespmem:v2+s29+$0x0], $0xffff;
	_ =	sdelay $0x3  }
0x56: {  	v2 =	vld [tilespmem:$0x2930]  }
0x57: {  	[tilespmem:$0x2990] =	vst v1  }
0x58: {  	v1 =	vld.idx.msk [tilespmem:v3+s29+$0x0], $0xffff;
	_ =	sdelay $0x3  }
0x59: {  	v3 =	vld [tilespmem:$0x2940]  }
0x5a: {  	[tilespmem:$0x29A0] =	vst v1  }
0x5b: {  	v1 =	vld.idx.msk [tilespmem:v2+s29+$0x0], $0xffff;
	_ =	sdelay $0x3  }
0x5c: {  	v2 =	vld [tilespmem:$0x2950]  }
0x5d: {  	[tilespmem:$0x29B0] =	vst v1  }
0x5e: {  	v1 =	vld.idx.msk [tilespmem:v3+s29+$0x0], $0xffff;
	_ =	sdelay $0x3  }
0x5f: {  	v3 =	vld [tilespmem:$0x2960]  }
0x60: {  	[tilespmem:$0x29C0] =	vst v1  }
0x61: {  	v1 =	vld.idx.msk [tilespmem:v2+s29+$0x0], $0xffff;
	_ =	sdelay $0x3  }
0x62: {  	v2 =	vld [tilespmem:$0x2970]  }
0x63: {  	[tilespmem:$0x29D0] =	vst v1  }
0x64: {  	v1 =	vld.idx.msk [tilespmem:v3+s29+$0x0], $0xffff;
	_ =	sdelay $0x4  }
0x65: {  	[tilespmem:$0x29E0] =	vst v1  }
0x66: {  	v1 =	vld.idx.msk [tilespmem:v2+s29+$0x0], $0xffff;
	_ =	sdelay $0x3  }
0x67: {  	v2 =	vmov s29  }
0x68: {  	s31 =	simm.s32 $0x2A40;
	[tilespmem:$0x29F0] =	vst v1  }
0x69: {  	v5 =	vld [tilespmem:s31+$0x30]  }
0x6a: {  	v8 =	vld [tilespmem:s31+$0x10]  }
0x6b: {  	v6 =	vld [tilespmem:s31+$0xFFFFFFC0]  }
0x6c: {  	v2 =	vld.idx.msk [tilespmem:v2+s26+$0x0], $0xffff  }
0x6d: {  	v10 =	vld [tilespmem:s31+$0xFFFFFFE0]  }
0x6e: {  	v1 =	vld [tilespmem:s31+$0xFFFFFFF0]  }
0x6f: {  	v3 =	vld [tilespmem:s31+$0x20]  }
0x70: {  	v4 =	vld [tilespmem:s31+$0xFFFFFFD0]  }
0x71: {  	v9 =	vmul.f32 v5, v2;
	v5 =	vld [tilespmem:s31+$0x0]  }
0x72: {  	v7 =	vmul.f32 v6, v2  }
0x73: {  	s4 =	simm.s32 $0x2A40;
	s0 =	simm.s32 $0x1;
	v6 =	vmul.f32 v10, v2;
	v8 =	vmul.f32 v8, v2  }
.LBB2_5:
0x74: {  	p0 =	sne.s32 s0, $0x7F  }
0x75: {  	v4 =	vmul.f32 v4, v2;
	v3 =	vmul.f32 v3, v2;
	[tilespmem:s31+$0x30] =	vst v9;
	s4 =	sadd.s32 $0x80, s4;
	s3 =	smov.u32 s0;
	s0 =	sadd.s32 $0x1, s0  }
0x76: {  	[tilespmem:s31+$0xFFFFFFC0] =	vst v7;
	v7 =	vmul.f32 v1, v2;
	v2 =	vmul.f32 v5, v2  }
0x77: {  	[tilespmem:s31+$0x10] =	vst v8  }
0x78: {  	v5 =	vmov s3;
	[tilespmem:s31+$0xFFFFFFE0] =	vst v6  }
0x79: {  	v1 =	vld [tilespmem:s4+$0xFFFFFFF0];
	[tilespmem:s31+$0xFFFFFFF0] =	vst v7  }
0x7a: {  	v6 =	vld [tilespmem:s4+$0x30];
	[tilespmem:s31+$0x0] =	vst v2  }
0x7b: {  	v8 =	vld [tilespmem:s4+$0x10];
	[tilespmem:s31+$0x20] =	vst v3  }
0x7c: {  	v7 =	vld [tilespmem:s4+$0xFFFFFFC0];
	[tilespmem:s31+$0xFFFFFFD0] =	vst v4;
	s31 =	smov.u32 s4  }
0x7d: {  	v2 =	vld.idx.msk [tilespmem:v5+s26+$0x0], $0xffff  }
0x7e: {  	v10 =	vld [tilespmem:s4+$0xFFFFFFE0]  }
0x7f: {  	v3 =	vld [tilespmem:s4+$0x20]  }
.Ltmp1:
0x80: {  	v4 =	vld [tilespmem:s4+$0xFFFFFFD0];
	(pc) =	sbr.rel @p0 .LBB2_5-.Ltmp1, $3  }
0x81: {  	v5 =	vld [tilespmem:s4+$0x0];
	_ =	sdelay $0x1  }
0x82: {  	v7 =	vmul.f32 v7, v2;
	v9 =	vmul.f32 v6, v2  }
0x83: {  	v8 =	vmul.f32 v8, v2;
	v6 =	vmul.f32 v10, v2  }
0x84: {  	[tilespmem:s31+$0x30] =	vst v9  }
0x85: {  	[tilespmem:s31+$0xFFFFFFC0] =	vst v7  }
0x86: {  	v1 =	vmul.f32 v1, v2;
	[tilespmem:s31+$0x10] =	vst v8  }
0x87: {  	v3 =	vmul.f32 v3, v2;
	[tilespmem:s31+$0xFFFFFFE0] =	vst v6  }
0x88: {  	v5 =	vmul.f32 v5, v2;
	[tilespmem:s31+$0xFFFFFFF0] =	vst v1  }
0x89: {  	s30 =	sadd.s32 $0x1, s30;
	v1 =	vmul.f32 v4, v2;
	[tilespmem:s31+$0x20] =	vst v3  }
0x8a: {  	p0 =	sne.s32 s30, $0x9E;
	[tilespmem:s31+$0x0] =	vst v5  }
.Ltmp2:
0x8b: {  	[tilespmem:s31+$0xFFFFFFD0] =	vst v1;
	(pc) =	sbr.rel @p0 .LBB2_4-.Ltmp2, $4  }
0x8c: {  	[spmem:s2] =	stream.indirect.scatter.add.f32 [tilespmem:s24], [sflag:$0x2], $0x80, s22, s17, $0xb8;
	[tilespmem:$0x1EA00] =	vst v63  }
0x8d: {  	_ =	swait.ge [sflag:s19], $0x4000  }
0x8e: {  	[sflag:s19] =	ssyncset.done $0x0  }
0x8f: {  	[sflag:s19] =	ssyncadd.s32 $0xFFFFC000  }
0x90: {  	s0 =	stileid.u32;
	s28 =	sadd.s32 $0x1, s28  }
0x91: {  	[bflag:$0x0] =	sbarrier.arrive $0xFFFF;
	s0 =	sshll.u32 s0, $0x6;
	p0 =	sne.s32 s28, s16  }
.Ltmp3:
0x92: {  	s3 =	sshrl.u32 s9, $0x3;
	s0 =	sor.u32 $0x1C02, s0;
	(pc) =	sbr.rel @p0 .LBB2_1-.Ltmp3, $4  }
0x93: {  	[hbm:s15], [sflag:s0] =	dma.local [spmem:s3], $0x2800  }
0x94: {  	_ =	swait.ge [sflag:s19], $0x2800  }
0x95: {  	[sflag:s19] =	ssyncset.done $0x0  }
0x96: {  	[sflag:s19] =	ssyncadd.s32 $0xFFFFD800  }
0x97: {  	_ =	sfence.sel $0x180000  }
0x98: {  	[bflag:$0x0] =	sbarrier.arrive $0xFFFF  }
0x99: {  	_ =	strace $0x90000056  }
0x9a: {  	s0 =	stileid.u32;
	[bflag:$0x2] =	sbarrier.arrive $0xFFFF  }
0x9b: {  	p0 =	sne.s32 s0, $0x0;
	s0 =	rddreg [dreg:$0x3]  }
0x9c: {  	s0 =	sadd.s32 @!p0 $0x100000, s0  }
0x9d: {  	[sflag:s0] =	ssyncadd.tile.s32 @!p0 $0x1;
	_ =	shalt  }
.Lfunc_end2:
_tile_overlayer_lowered:
.L_overlay_start_2:
0x9e: {  	(tag) =	ssettag $0x2  }
0x9f: {  	s0 =	rddreg [dreg:$0x0];
	s2 =	stileid.u32  }
0xa0: {  	s1 =	rddreg [dreg:$0x1];
	p0 =	sne.s32 s2, $0x0  }
0xa1: {  	s3 =	rddreg [dreg:$0x2];
	[bflag:$0x3] =	sbarrier.arrive $0xFFFF;
	s2 =	simm.s32 @!p0 $0x1C02  }
0xa2: {  	[timem:s3], [sflag:s2] =	dma.local @!p0 [hbm:s0], s1  }
0xa3: {  	s0 =	simm.s32 @!p0 $0x2  }
0xa4: {  	_ =	swait.ge @!p0 [sflag:s0], s1  }
0xa5: {  	s1 =	ssub.s32 @!p0 $0x0, s1;
	[sflag:s0] =	ssyncset.done @!p0 $0x0  }
0xa6: {  	[sflag:s0] =	ssyncadd.s32 @!p0 s1  }
0xa7: {  	[bflag:$0x3] =	sbarrier.arrive $0xFFFF  }
0xa8: {  	_ =	shalt  }

</sc_bundles>
